<compile_context>
chip_gen: v7x
topology: tpu7x:2x2x1
jax: 0.10.2.dev20260603
libtpu: 0.0.44.dev20260713+nightly
codegen_flags: <defaults>
</compile_context>

<pallas_src>
import functools

import jax
import jax.numpy as jnp
from jax import lax
from jax.experimental import pallas as pl
from jax.experimental.pallas import tpu as pltpu
from jax.experimental.pallas import tpu_sc as plsc

N_NODES = 10000
N_EDGES = 320000
D_IN = 128
D_HID = 32

NC = 2
NS = 16
NW = NC * NS
CH = 256
NB = 8
E_ROWS = N_EDGES // CH
K_MAX = 40
ROW_BLK = 2048
N_PAD = -(-N_NODES // ROW_BLK) * ROW_BLK
NR = N_PAD // NS

_mesh = plsc.VectorSubcoreMesh(
    core_axis_name="c", subcore_axis_name="s", num_cores=NC, num_subcores=NS)
_sc_params = pltpu.CompilerParams(use_tc_tiling_on_sc=False)


def _worker_rows(w):
    wm = jnp.minimum(w, 2)
    base = w * 39 + wm
    nch = 39 + (w < 2).astype(jnp.int32)
    return base, nch


def _load_idx(hbm2d, vref, base, w):
    pltpu.sync_copy(hbm2d.at[pl.ds(base, 39)], vref.at[pl.ds(0, 39)])

    @pl.when(w < 2)
    def _tail():
        pltpu.sync_copy(hbm2d.at[pl.ds(base + 39, 1)], vref.at[pl.ds(39, 1)])



@functools.partial(
    pl.kernel,
    out_type=jax.ShapeDtypeStruct((NC, N_PAD, 8), jnp.float32),
    mesh=_mesh,
    scratch_types=[
        pltpu.VMEM((K_MAX, CH), jnp.int32),
        pltpu.VMEM((CH, 8), jnp.float32),
        pltpu.VMEM_SHARED((N_PAD, 8), jnp.float32),
    ],
    compiler_params=_sc_params,
)
def _deg_kernel(dst_hbm, zeros8_hbm, ones8_hbm, out_hbm, dst_v, ones_v, acc_sh):
    c = lax.axis_index("c")
    s = lax.axis_index("s")
    w = c * NS + s
    r0 = s * NR
    base, nch = _worker_rows(w)
    pltpu.sync_copy(zeros8_hbm.at[pl.ds(r0, NR)], acc_sh.at[pl.ds(r0, NR)])
    _load_idx(dst_hbm, dst_v, base, w)
    pltpu.sync_copy(ones8_hbm, ones_v)
    plsc.subcore_barrier()

    def body(j, carry):
        pltpu.sync_copy(ones_v, acc_sh.at[dst_v.at[j]], add=True)
        return carry

    lax.fori_loop(0, nch, body, 0)
    plsc.subcore_barrier()
    pltpu.sync_copy(acc_sh.at[pl.ds(r0, NR)], out_hbm.at[c, pl.ds(r0, NR)])


@functools.partial(
    pl.kernel,
    out_type=jax.ShapeDtypeStruct((NC, N_PAD, D_HID), jnp.float32),
    mesh=_mesh,
    scratch_types=[
        pltpu.VMEM((K_MAX, CH), jnp.int32),
        pltpu.VMEM((K_MAX, CH), jnp.int32),
        pltpu.VMEM((NB, CH, D_HID), jnp.float32),
        pltpu.VMEM_SHARED((N_PAD, D_HID), jnp.float32),
        pltpu.SemaphoreType.DMA((NB,)),
    ],
    compiler_params=_sc_params,
)
def _spmm_kernel(src_hbm, dst_hbm, g_hbm, zeros_hbm, out_hbm,
                 src_v, dst_v, rows_v, acc_sh, sem_g):
    c = lax.axis_index("c")
    s = lax.axis_index("s")
    w = c * NS + s
    r0 = s * NR
    base, nch = _worker_rows(w)
    pltpu.sync_copy(zeros_hbm.at[pl.ds(r0, NR)], acc_sh.at[pl.ds(r0, NR)])
    _load_idx(src_hbm, src_v, base, w)
    _load_idx(dst_hbm, dst_v, base, w)
    plsc.subcore_barrier()

    for b in range(NB):
        pltpu.async_copy(g_hbm.at[src_v.at[b]], rows_v.at[b], sem_g.at[b])

    def body(j, carry):
        slot = lax.rem(j, NB)
        pltpu.make_async_copy(
            g_hbm.at[src_v.at[j]], rows_v.at[slot], sem_g.at[slot]).wait()
        pltpu.sync_copy(rows_v.at[slot], acc_sh.at[dst_v.at[j]], add=True)

        @pl.when(j + NB < nch)
        def _prefetch():
            pltpu.async_copy(
                g_hbm.at[src_v.at[j + NB]], rows_v.at[slot], sem_g.at[slot])

        return carry

    lax.fori_loop(0, nch, body, 0)
    plsc.subcore_barrier()
    pltpu.sync_copy(acc_sh.at[pl.ds(r0, NR)], out_hbm.at[c, pl.ds(r0, NR)])



def _mm_body(x_ref, w_ref, o_ref):
    o_ref[...] = jnp.dot(x_ref[...], w_ref[...],
                         preferred_element_type=jnp.float32)


def _scale_body(degp_ref, xw_ref, g_ref, dinv_ref):
    d = degp_ref[0] + degp_ref[1]
    dinv = lax.rsqrt(d[:, 0:1] + 1.0)
    g_ref[...] = xw_ref[...] * dinv
    dinv_ref[...] = jnp.broadcast_to(dinv, (ROW_BLK, 8))


def _tc2_body(accp_ref, g1_ref, dinv_ref, b1_ref, w_ref, g2_ref):
    dinv = dinv_ref[:, 0:1]
    h = (accp_ref[0] + accp_ref[1] + g1_ref[...]) * dinv + b1_ref[...]
    h = jnp.maximum(h, 0.0)
    g2_ref[...] = jnp.dot(h, w_ref[...],
                          preferred_element_type=jnp.float32) * dinv


def _tc3_body(accp_ref, g2_ref, dinv_ref, b_ref, mu_ref, ls_ref):
    dinv = dinv_ref[:, 0:1]
    f = (accp_ref[0] + accp_ref[1] + g2_ref[...]) * dinv + b_ref[...]
    mu_ref[...] = f[:, :16]
    ls_ref[...] = f[:, 16:]


def _row_spec(rows, minor):
    return pl.BlockSpec((rows, minor), lambda i: (i, 0))


def _part_spec(rows, minor):
    return pl.BlockSpec((NC, rows, minor), lambda i: (0, i, 0))


def _full_spec(a, b):
    return pl.BlockSpec((a, b), lambda i: (0, 0))


_tc_mm = pl.pallas_call(
    _mm_body,
    grid=(N_PAD // ROW_BLK,),
    in_specs=[_row_spec(ROW_BLK, D_IN), _full_spec(D_IN, D_HID)],
    out_specs=_row_spec(ROW_BLK, D_HID),
    out_shape=jax.ShapeDtypeStruct((N_PAD, D_HID), jnp.float32),
)

_tc_scale = pl.pallas_call(
    _scale_body,
    grid=(N_PAD // ROW_BLK,),
    in_specs=[_part_spec(ROW_BLK, 8), _row_spec(ROW_BLK, D_HID)],
    out_specs=[_row_spec(ROW_BLK, D_HID), _row_spec(ROW_BLK, 8)],
    out_shape=[jax.ShapeDtypeStruct((N_PAD, D_HID), jnp.float32),
               jax.ShapeDtypeStruct((N_PAD, 8), jnp.float32)],
)

_tc2 = pl.pallas_call(
    _tc2_body,
    grid=(N_PAD // ROW_BLK,),
    in_specs=[_part_spec(ROW_BLK, D_HID), _row_spec(ROW_BLK, D_HID),
              _row_spec(ROW_BLK, 8), _full_spec(1, D_HID),
              _full_spec(D_HID, D_HID)],
    out_specs=_row_spec(ROW_BLK, D_HID),
    out_shape=jax.ShapeDtypeStruct((N_PAD, D_HID), jnp.float32),
)

_OUT_BLK = 1000

_tc3 = pl.pallas_call(
    _tc3_body,
    grid=(N_NODES // _OUT_BLK,),
    in_specs=[_part_spec(_OUT_BLK, D_HID), _row_spec(_OUT_BLK, D_HID),
              _row_spec(_OUT_BLK, 8), _full_spec(1, D_HID)],
    out_specs=[_row_spec(_OUT_BLK, 16), _row_spec(_OUT_BLK, 16)],
    out_shape=[jax.ShapeDtypeStruct((N_NODES, 16), jnp.float32),
               jax.ShapeDtypeStruct((N_NODES, 16), jnp.float32)],
)


def kernel(x, edge_index, W1, b1, W_mu, b_mu, W_ls, b_ls):
    ei32 = edge_index.astype(jnp.int32)
    src2d = ei32[0].reshape(E_ROWS, CH)
    dst2d = ei32[1].reshape(E_ROWS, CH)
    x_pad = jnp.pad(x, ((0, N_PAD - N_NODES), (0, 0)))
    zeros32 = jnp.zeros((N_PAD, D_HID), jnp.float32)
    zeros8 = jnp.zeros((N_PAD, 8), jnp.float32)
    ones8 = jnp.ones((CH, 8), jnp.float32)
    Wcat = jnp.concatenate([W_mu, W_ls], axis=1)
    bcat = jnp.concatenate([b_mu, b_ls]).reshape(1, D_HID)

    degp = _deg_kernel(dst2d, zeros8, ones8)
    xw1 = _tc_mm(x_pad, W1)
    g1, dinv8 = _tc_scale(degp, xw1)
    acc1p = _spmm_kernel(src2d, dst2d, g1, zeros32)
    g2 = _tc2(acc1p, g1, dinv8, b1.reshape(1, D_HID), Wcat)
    acc2p = _spmm_kernel(src2d, dst2d, g2, zeros32)
    return tuple(_tc3(acc2p, g2, dinv8, bcat))

# --- scband reference (transcript-rebuilt; emitter-appended) ---
"""Pipeline reference for scband-variational-gcnencoder-91130616086749 (READ-ONLY COPY).

The authoritative reference and input builder live on the scoring server;
editing this copy changes nothing except your own understanding.
"""

import jax, jax.numpy as jnp
import numpy as np

N = 10000
E = 320000
D_IN = 128
D_HID = 32  # 2 * out_channels
D_OUT = 16


def gcn_conv(x, src, dst, W, b, n_nodes):
    # GCNConv (PyG default): add self-loops, symmetric normalization,
    # linear transform, scatter-add aggregation to dst, add bias.
    loop = jnp.arange(n_nodes, dtype=src.dtype)
    s = jnp.concatenate([src, loop])
    d = jnp.concatenate([dst, loop])
    deg = jnp.zeros((n_nodes,), dtype=x.dtype).at[d].add(1.0)
    deg_inv_sqrt = jnp.where(deg > 0, 1.0 / jnp.sqrt(deg), 0.0)
    norm = deg_inv_sqrt[s] * deg_inv_sqrt[d]
    h = x @ W
    msg = h[s] * norm[:, None]
    out = jnp.zeros((n_nodes, h.shape[1]), dtype=h.dtype).at[d].add(msg)
    return out + b


def setup_inputs(seed: int = 0) -> dict:
    key = jax.random.key(seed)
    k1, k2, k3, k4, k5 = jax.random.split(key, 5)
    x = jax.random.normal(k1, (N, D_IN), dtype=jnp.float32)
    edge_index = jax.random.randint(k2, (2, E), 0, N, dtype=jnp.int64)
    # Glorot-style init for GCN weights, zeros for bias (PyG default)
    W1 = jax.random.normal(k3, (D_IN, D_HID), dtype=jnp.float32) * (1.0 / np.sqrt(D_IN))
    b1 = jnp.zeros((D_HID,), dtype=jnp.float32)
    W_mu = jax.random.normal(k4, (D_HID, D_OUT), dtype=jnp.float32) * (1.0 / np.sqrt(D_HID))
    b_mu = jnp.zeros((D_OUT,), dtype=jnp.float32)
    W_ls = jax.random.normal(k5, (D_HID, D_OUT), dtype=jnp.float32) * (1.0 / np.sqrt(D_HID))
    b_ls = jnp.zeros((D_OUT,), dtype=jnp.float32)
    return {"x": x, "edge_index": edge_index, "W1": W1, "b1": b1,
            "W_mu": W_mu, "b_mu": b_mu, "W_ls": W_ls, "b_ls": b_ls}


def reference(x, edge_index, W1, b1, W_mu, b_mu, W_ls, b_ls):
    src = edge_index[0]
    dst = edge_index[1]
    h = gcn_conv(x, src, dst, W1, b1, N)
    h = jax.nn.relu(h)
    mu = gcn_conv(h, src, dst, W_mu, b_mu, N)
    logstd = gcn_conv(h, src, dst, W_ls, b_ls, N)
    return (mu, logstd)

if __name__ == "__main__":
    import jax
    _d = setup_inputs()
    print(jax.jit(kernel)(*tuple(_d.values())))

</pallas_src>

<mosaic_0001>
#map = affine_map<(d0, d1) -> (0, 0)>
#map1 = affine_map<(d0, d1) -> (0, 0, 0)>
module attributes {stable_mosaic.version = 14 : i64} {
  func.func @_deg_kernel(%arg0: i32, %arg1: i32, %arg2: memref<1250x256xi32, #tpu.memory_space<hbm>>, %arg3: memref<10240x8xf32, #tpu.memory_space<hbm>>, %arg4: memref<256x8xf32, #tpu.memory_space<hbm>>, %arg5: memref<2x10240x8xf32, #tpu.memory_space<hbm>>, %arg6: memref<40x256xi32, #tpu.memory_space<vmem>>, %arg7: memref<256x8xf32, #tpu.memory_space<vmem>>, %arg8: memref<10240x8xf32, #tpu.memory_space<vmem_shared>>) attributes {dimension_semantics = [#tpu.dimension_semantics<core_parallel>, #tpu.dimension_semantics<subcore_parallel>], iteration_bounds = array<i64: 2, 16>, scalar_prefetch = 0 : i64, scratch_operands = 3 : i64, tpu.core_type = #tpu.core_type<sc_vector_subcore>, window_params = [{transform_indices = #map}, {transform_indices = #map}, {transform_indices = #map}, {transform_indices = #map1}]} {
    %mul3A = arith.constant 16 : i32
    %mul3A_0 = arith.muli %arg0, %mul3A : i32
    %add3A = arith.addi %mul3A_0, %arg1 : i32
    %mul3A_1 = arith.constant 640 : i32
    %mul3A_2 = arith.muli %arg1, %mul3A_1 : i32
    %min3A = arith.constant 2 : i32
    %min3A_3 = arith.minsi %add3A, %min3A : i32
    %mul3A_4 = arith.constant 39 : i32
    %mul3A_5 = arith.muli %add3A, %mul3A_4 : i32
    %add3A_6 = arith.addi %mul3A_5, %min3A_3 : i32
    %lt3A = arith.constant 2 : i32
    %lt3A_7 = arith.cmpi slt, %add3A, %lt3A : i32
    %convert_element_type3A = arith.extui %lt3A_7 : i1 to i32
    %add3A_8 = arith.constant 39 : i32
    %add3A_9 = arith.addi %add3A_8, %convert_element_type3A : i32
    "tpu.region"() ({
      %run_scoped3A = tpu.sem_alloc : memref<!tpu.dma_semaphore, #tpu.memory_space<semaphore_mem>>
      %dma_start3A = arith.constant 0 : i32
      %dma_start3A_24 = tpu.memref_slice %arg8[%mul3A_2, %dma_start3A] : memref<10240x8xf32, #tpu.memory_space<vmem_shared>> -> memref<640x8xf32, #tpu.memory_space<vmem_shared>>
      %dma_start3A_25 = arith.constant 0 : i32
      %dma_start3A_26 = tpu.memref_slice %arg3[%mul3A_2, %dma_start3A_25] : memref<10240x8xf32, #tpu.memory_space<hbm>> -> memref<640x8xf32, #tpu.memory_space<hbm>>
      tpu.enqueue_dma source(%dma_start3A_26 : memref<640x8xf32, #tpu.memory_space<hbm>>) target(%dma_start3A_24 : memref<640x8xf32, #tpu.memory_space<vmem_shared>>) target_semaphore(%run_scoped3A : memref<!tpu.dma_semaphore, #tpu.memory_space<semaphore_mem>>)
      %dma_wait3A = arith.constant 0 : i32
      %dma_wait3A_27 = tpu.memref_slice %arg8[%mul3A_2, %dma_wait3A] : memref<10240x8xf32, #tpu.memory_space<vmem_shared>> -> memref<640x8xf32, #tpu.memory_space<vmem_shared>>
      %dma_wait3A_28 = arith.constant 0 : i32
      %dma_wait3A_29 = tpu.memref_slice %arg3[%mul3A_2, %dma_wait3A_28] : memref<10240x8xf32, #tpu.memory_space<hbm>> -> memref<640x8xf32, #tpu.memory_space<hbm>>
      tpu.wait_dma2 semaphore(%run_scoped3A : memref<!tpu.dma_semaphore, #tpu.memory_space<semaphore_mem>>) src(%dma_wait3A_29 : memref<640x8xf32, #tpu.memory_space<hbm>>) dst(%dma_wait3A_27 : memref<640x8xf32, #tpu.memory_space<vmem_shared>>)
      tpu.yield
    }) : () -> ()
    "tpu.region"() ({
      %run_scoped3A = tpu.sem_alloc : memref<!tpu.dma_semaphore, #tpu.memory_space<semaphore_mem>>
      %dma_start3A = arith.constant 0 : i32
      %dma_start3A_24 = arith.constant 0 : i32
      %dma_start3A_25 = tpu.memref_slice %arg6[%dma_start3A, %dma_start3A_24] : memref<40x256xi32, #tpu.memory_space<vmem>> -> memref<39x256xi32, #tpu.memory_space<vmem>>
      %dma_start3A_26 = arith.constant 0 : i32
      %dma_start3A_27 = tpu.memref_slice %arg2[%add3A_6, %dma_start3A_26] : memref<1250x256xi32, #tpu.memory_space<hbm>> -> memref<39x256xi32, #tpu.memory_space<hbm>>
      %dma_start3A_28 = arith.constant 0 : i32
      %dma_start3A_29 = arith.constant 0 : i32
      %dma_start3A_30 = tpu.memref_slice %arg6[%dma_start3A_28, %dma_start3A_29] : memref<40x256xi32, #tpu.memory_space<vmem>> -> memref<39x256xi32, #tpu.memory_space<vmem>>
      %dma_start3A_31 = arith.constant 0 : i32
      %dma_start3A_32 = tpu.memref_slice %arg2[%add3A_6, %dma_start3A_31] : memref<1250x256xi32, #tpu.memory_space<hbm>> -> memref<39x256xi32, #tpu.memory_space<hbm>>
      tpu.enqueue_dma source(%dma_start3A_32 : memref<39x256xi32, #tpu.memory_space<hbm>>) target(%dma_start3A_30 : memref<39x256xi32, #tpu.memory_space<vmem>>) target_semaphore(%run_scoped3A : memref<!tpu.dma_semaphore, #tpu.memory_space<semaphore_mem>>)
      %dma_wait3A = arith.constant 0 : i32
      %dma_wait3A_33 = arith.constant 0 : i32
      %dma_wait3A_34 = tpu.memref_slice %arg6[%dma_wait3A, %dma_wait3A_33] : memref<40x256xi32, #tpu.memory_space<vmem>> -> memref<39x256xi32, #tpu.memory_space<vmem>>
      %dma_wait3A_35 = arith.constant 0 : i32
      %dma_wait3A_36 = tpu.memref_slice %arg2[%add3A_6, %dma_wait3A_35] : memref<1250x256xi32, #tpu.memory_space<hbm>> -> memref<39x256xi32, #tpu.memory_space<hbm>>
      %dma_wait3A_37 = arith.constant 0 : i32
      %dma_wait3A_38 = arith.constant 0 : i32
      %dma_wait3A_39 = tpu.memref_slice %arg6[%dma_wait3A_37, %dma_wait3A_38] : memref<40x256xi32, #tpu.memory_space<vmem>> -> memref<39x256xi32, #tpu.memory_space<vmem>>
      %dma_wait3A_40 = arith.constant 0 : i32
      %dma_wait3A_41 = tpu.memref_slice %arg2[%add3A_6, %dma_wait3A_40] : memref<1250x256xi32, #tpu.memory_space<hbm>> -> memref<39x256xi32, #tpu.memory_space<hbm>>
      tpu.wait_dma2 semaphore(%run_scoped3A : memref<!tpu.dma_semaphore, #tpu.memory_space<semaphore_mem>>) src(%dma_wait3A_41 : memref<39x256xi32, #tpu.memory_space<hbm>>) dst(%dma_wait3A_39 : memref<39x256xi32, #tpu.memory_space<vmem>>)
      tpu.yield
    }) : () -> ()
    %lt3A_10 = arith.constant 2 : i32
    %lt3A_11 = arith.cmpi slt, %add3A, %lt3A_10 : i32
    %convert_element_type3A_12 = arith.extui %lt3A_11 : i1 to i32
    %cond3A = arith.constant 0 : i32
    %cond3A_13 = arith.cmpi ne, %convert_element_type3A_12, %cond3A : i32
    scf.if %cond3A_13 {
      %add3A_24 = arith.constant 39 : i32
      %add3A_25 = arith.addi %add3A_6, %add3A_24 : i32
      "tpu.region"() ({
        %run_scoped3A = tpu.sem_alloc : memref<!tpu.dma_semaphore, #tpu.memory_space<semaphore_mem>>
        %dma_start3A = arith.constant 39 : i32
        %dma_start3A_26 = arith.constant 0 : i32
        %dma_start3A_27 = tpu.memref_slice %arg6[%dma_start3A, %dma_start3A_26] : memref<40x256xi32, #tpu.memory_space<vmem>> -> memref<1x256xi32, #tpu.memory_space<vmem>>
        %dma_start3A_28 = arith.constant 0 : i32
        %dma_start3A_29 = tpu.memref_slice %arg2[%add3A_25, %dma_start3A_28] : memref<1250x256xi32, #tpu.memory_space<hbm>> -> memref<1x256xi32, #tpu.memory_space<hbm>>
        %dma_start3A_30 = arith.constant 39 : i32
        %dma_start3A_31 = arith.constant 0 : i32
        %dma_start3A_32 = tpu.memref_slice %arg6[%dma_start3A_30, %dma_start3A_31] : memref<40x256xi32, #tpu.memory_space<vmem>> -> memref<1x256xi32, #tpu.memory_space<vmem>>
        %dma_start3A_33 = arith.constant 0 : i32
        %dma_start3A_34 = tpu.memref_slice %arg2[%add3A_25, %dma_start3A_33] : memref<1250x256xi32, #tpu.memory_space<hbm>> -> memref<1x256xi32, #tpu.memory_space<hbm>>
        tpu.enqueue_dma source(%dma_start3A_34 : memref<1x256xi32, #tpu.memory_space<hbm>>) target(%dma_start3A_32 : memref<1x256xi32, #tpu.memory_space<vmem>>) target_semaphore(%run_scoped3A : memref<!tpu.dma_semaphore, #tpu.memory_space<semaphore_mem>>)
        %dma_wait3A = arith.constant 39 : i32
        %dma_wait3A_35 = arith.constant 0 : i32
        %dma_wait3A_36 = tpu.memref_slice %arg6[%dma_wait3A, %dma_wait3A_35] : memref<40x256xi32, #tpu.memory_space<vmem>> -> memref<1x256xi32, #tpu.memory_space<vmem>>
        %dma_wait3A_37 = arith.constant 0 : i32
        %dma_wait3A_38 = tpu.memref_slice %arg2[%add3A_25, %dma_wait3A_37] : memref<1250x256xi32, #tpu.memory_space<hbm>> -> memref<1x256xi32, #tpu.memory_space<hbm>>
        %dma_wait3A_39 = arith.constant 39 : i32
        %dma_wait3A_40 = arith.constant 0 : i32
        %dma_wait3A_41 = tpu.memref_slice %arg6[%dma_wait3A_39, %dma_wait3A_40] : memref<40x256xi32, #tpu.memory_space<vmem>> -> memref<1x256xi32, #tpu.memory_space<vmem>>
        %dma_wait3A_42 = arith.constant 0 : i32
        %dma_wait3A_43 = tpu.memref_slice %arg2[%add3A_25, %dma_wait3A_42] : memref<1250x256xi32, #tpu.memory_space<hbm>> -> memref<1x256xi32, #tpu.memory_space<hbm>>
        tpu.wait_dma2 semaphore(%run_scoped3A : memref<!tpu.dma_semaphore, #tpu.memory_space<semaphore_mem>>) src(%dma_wait3A_43 : memref<1x256xi32, #tpu.memory_space<hbm>>) dst(%dma_wait3A_41 : memref<1x256xi32, #tpu.memory_space<vmem>>)
        tpu.yield
      }) : () -> ()
    } else {
    }
    "tpu.region"() ({
      %run_scoped3A = tpu.sem_alloc : memref<!tpu.dma_semaphore, #tpu.memory_space<semaphore_mem>>
      tpu.enqueue_dma source(%arg4 : memref<256x8xf32, #tpu.memory_space<hbm>>) target(%arg7 : memref<256x8xf32, #tpu.memory_space<vmem>>) target_semaphore(%run_scoped3A : memref<!tpu.dma_semaphore, #tpu.memory_space<semaphore_mem>>)
      tpu.wait_dma2 semaphore(%run_scoped3A : memref<!tpu.dma_semaphore, #tpu.memory_space<semaphore_mem>>) src(%arg4 : memref<256x8xf32, #tpu.memory_space<hbm>>) dst(%arg7 : memref<256x8xf32, #tpu.memory_space<vmem>>)
      tpu.yield
    }) : () -> ()
    %barrier3A = arith.constant 0 : index
    tpu.barrier barrier_id(%barrier3A)
    %while3A = arith.constant 0 : i32
    %while3A_14 = arith.constant 0 : i32
    %while3A_15 = arith.subi %add3A_9, %while3A_14 : i32
    %while3A_16 = arith.addi %while3A_14, %while3A_15 : i32
    %while3A_17 = arith.constant 1 : i32
    %while3A_18 = arith.divsi %while3A_15, %while3A_17 : i32
    %while3A_19 = arith.muli %while3A_18, %while3A_17 : i32
    %while3A_20 = arith.addi %while3A_14, %while3A_19 : i32
    %while3A_21 = arith.constant 1 : i32
    scf.for %while3A_24 = %while3A_14 to %while3A_20 step %while3A_21  : i32 {
      "tpu.region"() ({
        %run_scoped3A = tpu.sem_alloc : memref<!tpu.dma_semaphore, #tpu.memory_space<semaphore_mem>>
        %dma_start3A = arith.constant 0 : i32
        %dma_start3A_25 = tpu.memref_slice %arg6[%while3A_24, %dma_start3A] : memref<40x256xi32, #tpu.memory_space<vmem>> -> memref<1x256xi32, #tpu.memory_space<vmem>>
        %dma_start3A_26 = tpu.memref_squeeze %dma_start3A_25 : memref<1x256xi32, #tpu.memory_space<vmem>> -> memref<256xi32, #tpu.memory_space<vmem>>
        %dma_start3A_27 = arith.constant 0 : i32
        %dma_start3A_28 = arith.constant 0 : i32
        %dma_start3A_29 = tpu.memref_slice %arg8[%dma_start3A_27, %dma_start3A_28] : memref<10240x8xf32, #tpu.memory_space<vmem_shared>> -> memref<10240x8xf32, #tpu.memory_space<vmem_shared>>
        tpu.enqueue_indirect_dma source(%arg7 : memref<256x8xf32, #tpu.memory_space<vmem>>) target(%dma_start3A_29 : memref<10240x8xf32, #tpu.memory_space<vmem_shared>>) offsets(%dma_start3A_26 : memref<256xi32, #tpu.memory_space<vmem>>) semaphore(%run_scoped3A : memref<!tpu.dma_semaphore, #tpu.memory_space<semaphore_mem>>) {add = true}
        %dma_wait3A = arith.constant 0 : i32
        %dma_wait3A_30 = tpu.memref_slice %arg6[%while3A_24, %dma_wait3A] : memref<40x256xi32, #tpu.memory_space<vmem>> -> memref<1x256xi32, #tpu.memory_space<vmem>>
        %dma_wait3A_31 = tpu.memref_squeeze %dma_wait3A_30 : memref<1x256xi32, #tpu.memory_space<vmem>> -> memref<256xi32, #tpu.memory_space<vmem>>
        %dma_wait3A_32 = arith.constant 0 : i32
        %dma_wait3A_33 = arith.constant 0 : i32
        %dma_wait3A_34 = tpu.memref_slice %arg8[%dma_wait3A_32, %dma_wait3A_33] : memref<10240x8xf32, #tpu.memory_space<vmem_shared>> -> memref<10240x8xf32, #tpu.memory_space<vmem_shared>>
        tpu.wait_indirect_dma semaphore(%run_scoped3A : memref<!tpu.dma_semaphore, #tpu.memory_space<semaphore_mem>>) src(%arg7 : memref<256x8xf32, #tpu.memory_space<vmem>>) dst(%dma_wait3A_34 : memref<10240x8xf32, #tpu.memory_space<vmem_shared>>)
        tpu.yield
      }) : () -> ()
    }
    %while3A_22 = arith.constant 1 : i32
    scf.for %while3A_24 = %while3A_20 to %while3A_16 step %while3A_22  : i32 {
      "tpu.region"() ({
        %run_scoped3A = tpu.sem_alloc : memref<!tpu.dma_semaphore, #tpu.memory_space<semaphore_mem>>
        %dma_start3A = arith.constant 0 : i32
        %dma_start3A_25 = tpu.memref_slice %arg6[%while3A_24, %dma_start3A] : memref<40x256xi32, #tpu.memory_space<vmem>> -> memref<1x256xi32, #tpu.memory_space<vmem>>
        %dma_start3A_26 = tpu.memref_squeeze %dma_start3A_25 : memref<1x256xi32, #tpu.memory_space<vmem>> -> memref<256xi32, #tpu.memory_space<vmem>>
        %dma_start3A_27 = arith.constant 0 : i32
        %dma_start3A_28 = arith.constant 0 : i32
        %dma_start3A_29 = tpu.memref_slice %arg8[%dma_start3A_27, %dma_start3A_28] : memref<10240x8xf32, #tpu.memory_space<vmem_shared>> -> memref<10240x8xf32, #tpu.memory_space<vmem_shared>>
        tpu.enqueue_indirect_dma source(%arg7 : memref<256x8xf32, #tpu.memory_space<vmem>>) target(%dma_start3A_29 : memref<10240x8xf32, #tpu.memory_space<vmem_shared>>) offsets(%dma_start3A_26 : memref<256xi32, #tpu.memory_space<vmem>>) semaphore(%run_scoped3A : memref<!tpu.dma_semaphore, #tpu.memory_space<semaphore_mem>>) {add = true}
        %dma_wait3A = arith.constant 0 : i32
        %dma_wait3A_30 = tpu.memref_slice %arg6[%while3A_24, %dma_wait3A] : memref<40x256xi32, #tpu.memory_space<vmem>> -> memref<1x256xi32, #tpu.memory_space<vmem>>
        %dma_wait3A_31 = tpu.memref_squeeze %dma_wait3A_30 : memref<1x256xi32, #tpu.memory_space<vmem>> -> memref<256xi32, #tpu.memory_space<vmem>>
        %dma_wait3A_32 = arith.constant 0 : i32
        %dma_wait3A_33 = arith.constant 0 : i32
        %dma_wait3A_34 = tpu.memref_slice %arg8[%dma_wait3A_32, %dma_wait3A_33] : memref<10240x8xf32, #tpu.memory_space<vmem_shared>> -> memref<10240x8xf32, #tpu.memory_space<vmem_shared>>
        tpu.wait_indirect_dma semaphore(%run_scoped3A : memref<!tpu.dma_semaphore, #tpu.memory_space<semaphore_mem>>) src(%arg7 : memref<256x8xf32, #tpu.memory_space<vmem>>) dst(%dma_wait3A_34 : memref<10240x8xf32, #tpu.memory_space<vmem_shared>>)
        tpu.yield
      }) : () -> ()
    }
    %barrier3A_23 = arith.constant 0 : index
    tpu.barrier barrier_id(%barrier3A_23)
    "tpu.region"() ({
      %run_scoped3A = tpu.sem_alloc : memref<!tpu.dma_semaphore, #tpu.memory_space<semaphore_mem>>
      %dma_start3A = arith.constant 0 : i32
      %dma_start3A_24 = tpu.memref_slice %arg5[%arg0, %mul3A_2, %dma_start3A] : memref<2x10240x8xf32, #tpu.memory_space<hbm>> -> memref<1x640x8xf32, #tpu.memory_space<hbm>>
      %dma_start3A_25 = tpu.memref_squeeze %dma_start3A_24 : memref<1x640x8xf32, #tpu.memory_space<hbm>> -> memref<640x8xf32, #tpu.memory_space<hbm>>
      %dma_start3A_26 = arith.constant 0 : i32
      %dma_start3A_27 = tpu.memref_slice %arg8[%mul3A_2, %dma_start3A_26] : memref<10240x8xf32, #tpu.memory_space<vmem_shared>> -> memref<640x8xf32, #tpu.memory_space<vmem_shared>>
      tpu.enqueue_dma source(%dma_start3A_27 : memref<640x8xf32, #tpu.memory_space<vmem_shared>>) target(%dma_start3A_25 : memref<640x8xf32, #tpu.memory_space<hbm>>) target_semaphore(%run_scoped3A : memref<!tpu.dma_semaphore, #tpu.memory_space<semaphore_mem>>)
      %dma_wait3A = arith.constant 0 : i32
      %dma_wait3A_28 = tpu.memref_slice %arg5[%arg0, %mul3A_2, %dma_wait3A] : memref<2x10240x8xf32, #tpu.memory_space<hbm>> -> memref<1x640x8xf32, #tpu.memory_space<hbm>>
      %dma_wait3A_29 = tpu.memref_squeeze %dma_wait3A_28 : memref<1x640x8xf32, #tpu.memory_space<hbm>> -> memref<640x8xf32, #tpu.memory_space<hbm>>
      %dma_wait3A_30 = arith.constant 0 : i32
      %dma_wait3A_31 = tpu.memref_slice %arg8[%mul3A_2, %dma_wait3A_30] : memref<10240x8xf32, #tpu.memory_space<vmem_shared>> -> memref<640x8xf32, #tpu.memory_space<vmem_shared>>
      tpu.wait_dma2 semaphore(%run_scoped3A : memref<!tpu.dma_semaphore, #tpu.memory_space<semaphore_mem>>) src(%dma_wait3A_31 : memref<640x8xf32, #tpu.memory_space<vmem_shared>>) dst(%dma_wait3A_29 : memref<640x8xf32, #tpu.memory_space<hbm>>)
      tpu.yield
    }) : () -> ()
    return
  }
}

#map = affine_map<(d0, d1) -> (0, 0)>
#map1 = affine_map<(d0, d1) -> (0, 0, 0)>
module attributes {stable_mosaic.version = 14 : i64} {
  func.func @_spmm_kernel(%arg0: i32, %arg1: i32, %arg2: memref<1250x256xi32, #tpu.memory_space<hbm>>, %arg3: memref<1250x256xi32, #tpu.memory_space<hbm>>, %arg4: memref<10240x32xf32, #tpu.memory_space<hbm>>, %arg5: memref<10240x32xf32, #tpu.memory_space<hbm>>, %arg6: memref<2x10240x32xf32, #tpu.memory_space<hbm>>, %arg7: memref<40x256xi32, #tpu.memory_space<vmem>>, %arg8: memref<40x256xi32, #tpu.memory_space<vmem>>, %arg9: memref<8x256x32xf32, #tpu.memory_space<vmem>>, %arg10: memref<10240x32xf32, #tpu.memory_space<vmem_shared>>, %arg11: memref<8x!tpu.dma_semaphore, #tpu.memory_space<semaphore_mem>>) attributes {dimension_semantics = [#tpu.dimension_semantics<core_parallel>, #tpu.dimension_semantics<subcore_parallel>], iteration_bounds = array<i64: 2, 16>, scalar_prefetch = 0 : i64, scratch_operands = 5 : i64, tpu.core_type = #tpu.core_type<sc_vector_subcore>, window_params = [{transform_indices = #map}, {transform_indices = #map}, {transform_indices = #map}, {transform_indices = #map}, {transform_indices = #map1}]} {
    %mul3A = arith.constant 16 : i32
    %mul3A_0 = arith.muli %arg0, %mul3A : i32
    %add3A = arith.addi %mul3A_0, %arg1 : i32
    %mul3A_1 = arith.constant 640 : i32
    %mul3A_2 = arith.muli %arg1, %mul3A_1 : i32
    %min3A = arith.constant 2 : i32
    %min3A_3 = arith.minsi %add3A, %min3A : i32
    %mul3A_4 = arith.constant 39 : i32
    %mul3A_5 = arith.muli %add3A, %mul3A_4 : i32
    %add3A_6 = arith.addi %mul3A_5, %min3A_3 : i32
    %lt3A = arith.constant 2 : i32
    %lt3A_7 = arith.cmpi slt, %add3A, %lt3A : i32
    %convert_element_type3A = arith.extui %lt3A_7 : i1 to i32
    %add3A_8 = arith.constant 39 : i32
    %add3A_9 = arith.addi %add3A_8, %convert_element_type3A : i32
    "tpu.region"() ({
      %run_scoped3A = tpu.sem_alloc : memref<!tpu.dma_semaphore, #tpu.memory_space<semaphore_mem>>
      %dma_start3A_148 = arith.constant 0 : i32
      %dma_start3A_149 = tpu.memref_slice %arg10[%mul3A_2, %dma_start3A_148] : memref<10240x32xf32, #tpu.memory_space<vmem_shared>> -> memref<640x32xf32, #tpu.memory_space<vmem_shared>>
      %dma_start3A_150 = arith.constant 0 : i32
      %dma_start3A_151 = tpu.memref_slice %arg5[%mul3A_2, %dma_start3A_150] : memref<10240x32xf32, #tpu.memory_space<hbm>> -> memref<640x32xf32, #tpu.memory_space<hbm>>
      tpu.enqueue_dma source(%dma_start3A_151 : memref<640x32xf32, #tpu.memory_space<hbm>>) target(%dma_start3A_149 : memref<640x32xf32, #tpu.memory_space<vmem_shared>>) target_semaphore(%run_scoped3A : memref<!tpu.dma_semaphore, #tpu.memory_space<semaphore_mem>>)
      %dma_wait3A = arith.constant 0 : i32
      %dma_wait3A_152 = tpu.memref_slice %arg10[%mul3A_2, %dma_wait3A] : memref<10240x32xf32, #tpu.memory_space<vmem_shared>> -> memref<640x32xf32, #tpu.memory_space<vmem_shared>>
      %dma_wait3A_153 = arith.constant 0 : i32
      %dma_wait3A_154 = tpu.memref_slice %arg5[%mul3A_2, %dma_wait3A_153] : memref<10240x32xf32, #tpu.memory_space<hbm>> -> memref<640x32xf32, #tpu.memory_space<hbm>>
      tpu.wait_dma2 semaphore(%run_scoped3A : memref<!tpu.dma_semaphore, #tpu.memory_space<semaphore_mem>>) src(%dma_wait3A_154 : memref<640x32xf32, #tpu.memory_space<hbm>>) dst(%dma_wait3A_152 : memref<640x32xf32, #tpu.memory_space<vmem_shared>>)
      tpu.yield
    }) : () -> ()
    "tpu.region"() ({
      %run_scoped3A = tpu.sem_alloc : memref<!tpu.dma_semaphore, #tpu.memory_space<semaphore_mem>>
      %dma_start3A_148 = arith.constant 0 : i32
      %dma_start3A_149 = arith.constant 0 : i32
      %dma_start3A_150 = tpu.memref_slice %arg7[%dma_start3A_148, %dma_start3A_149] : memref<40x256xi32, #tpu.memory_space<vmem>> -> memref<39x256xi32, #tpu.memory_space<vmem>>
      %dma_start3A_151 = arith.constant 0 : i32
      %dma_start3A_152 = tpu.memref_slice %arg2[%add3A_6, %dma_start3A_151] : memref<1250x256xi32, #tpu.memory_space<hbm>> -> memref<39x256xi32, #tpu.memory_space<hbm>>
      %dma_start3A_153 = arith.constant 0 : i32
      %dma_start3A_154 = arith.constant 0 : i32
      %dma_start3A_155 = tpu.memref_slice %arg7[%dma_start3A_153, %dma_start3A_154] : memref<40x256xi32, #tpu.memory_space<vmem>> -> memref<39x256xi32, #tpu.memory_space<vmem>>
      %dma_start3A_156 = arith.constant 0 : i32
      %dma_start3A_157 = tpu.memref_slice %arg2[%add3A_6, %dma_start3A_156] : memref<1250x256xi32, #tpu.memory_space<hbm>> -> memref<39x256xi32, #tpu.memory_space<hbm>>
      tpu.enqueue_dma source(%dma_start3A_157 : memref<39x256xi32, #tpu.memory_space<hbm>>) target(%dma_start3A_155 : memref<39x256xi32, #tpu.memory_space<vmem>>) target_semaphore(%run_scoped3A : memref<!tpu.dma_semaphore, #tpu.memory_space<semaphore_mem>>)
      %dma_wait3A = arith.constant 0 : i32
      %dma_wait3A_158 = arith.constant 0 : i32
      %dma_wait3A_159 = tpu.memref_slice %arg7[%dma_wait3A, %dma_wait3A_158] : memref<40x256xi32, #tpu.memory_space<vmem>> -> memref<39x256xi32, #tpu.memory_space<vmem>>
      %dma_wait3A_160 = arith.constant 0 : i32
      %dma_wait3A_161 = tpu.memref_slice %arg2[%add3A_6, %dma_wait3A_160] : memref<1250x256xi32, #tpu.memory_space<hbm>> -> memref<39x256xi32, #tpu.memory_space<hbm>>
      %dma_wait3A_162 = arith.constant 0 : i32
      %dma_wait3A_163 = arith.constant 0 : i32
      %dma_wait3A_164 = tpu.memref_slice %arg7[%dma_wait3A_162, %dma_wait3A_163] : memref<40x256xi32, #tpu.memory_space<vmem>> -> memref<39x256xi32, #tpu.memory_space<vmem>>
      %dma_wait3A_165 = arith.constant 0 : i32
      %dma_wait3A_166 = tpu.memref_slice %arg2[%add3A_6, %dma_wait3A_165] : memref<1250x256xi32, #tpu.memory_space<hbm>> -> memref<39x256xi32, #tpu.memory_space<hbm>>
      tpu.wait_dma2 semaphore(%run_scoped3A : memref<!tpu.dma_semaphore, #tpu.memory_space<semaphore_mem>>) src(%dma_wait3A_166 : memref<39x256xi32, #tpu.memory_space<hbm>>) dst(%dma_wait3A_164 : memref<39x256xi32, #tpu.memory_space<vmem>>)
      tpu.yield
    }) : () -> ()
    %lt3A_10 = arith.constant 2 : i32
    %lt3A_11 = arith.cmpi slt, %add3A, %lt3A_10 : i32
    %convert_element_type3A_12 = arith.extui %lt3A_11 : i1 to i32
    %cond3A = arith.constant 0 : i32
    %cond3A_13 = arith.cmpi ne, %convert_element_type3A_12, %cond3A : i32
    scf.if %cond3A_13 {
      %add3A_148 = arith.constant 39 : i32
      %add3A_149 = arith.addi %add3A_6, %add3A_148 : i32
      "tpu.region"() ({
        %run_scoped3A = tpu.sem_alloc : memref<!tpu.dma_semaphore, #tpu.memory_space<semaphore_mem>>
        %dma_start3A_150 = arith.constant 39 : i32
        %dma_start3A_151 = arith.constant 0 : i32
        %dma_start3A_152 = tpu.memref_slice %arg7[%dma_start3A_150, %dma_start3A_151] : memref<40x256xi32, #tpu.memory_space<vmem>> -> memref<1x256xi32, #tpu.memory_space<vmem>>
        %dma_start3A_153 = arith.constant 0 : i32
        %dma_start3A_154 = tpu.memref_slice %arg2[%add3A_149, %dma_start3A_153] : memref<1250x256xi32, #tpu.memory_space<hbm>> -> memref<1x256xi32, #tpu.memory_space<hbm>>
        %dma_start3A_155 = arith.constant 39 : i32
        %dma_start3A_156 = arith.constant 0 : i32
        %dma_start3A_157 = tpu.memref_slice %arg7[%dma_start3A_155, %dma_start3A_156] : memref<40x256xi32, #tpu.memory_space<vmem>> -> memref<1x256xi32, #tpu.memory_space<vmem>>
        %dma_start3A_158 = arith.constant 0 : i32
        %dma_start3A_159 = tpu.memref_slice %arg2[%add3A_149, %dma_start3A_158] : memref<1250x256xi32, #tpu.memory_space<hbm>> -> memref<1x256xi32, #tpu.memory_space<hbm>>
        tpu.enqueue_dma source(%dma_start3A_159 : memref<1x256xi32, #tpu.memory_space<hbm>>) target(%dma_start3A_157 : memref<1x256xi32, #tpu.memory_space<vmem>>) target_semaphore(%run_scoped3A : memref<!tpu.dma_semaphore, #tpu.memory_space<semaphore_mem>>)
        %dma_wait3A = arith.constant 39 : i32
        %dma_wait3A_160 = arith.constant 0 : i32
        %dma_wait3A_161 = tpu.memref_slice %arg7[%dma_wait3A, %dma_wait3A_160] : memref<40x256xi32, #tpu.memory_space<vmem>> -> memref<1x256xi32, #tpu.memory_space<vmem>>
        %dma_wait3A_162 = arith.constant 0 : i32
        %dma_wait3A_163 = tpu.memref_slice %arg2[%add3A_149, %dma_wait3A_162] : memref<1250x256xi32, #tpu.memory_space<hbm>> -> memref<1x256xi32, #tpu.memory_space<hbm>>
        %dma_wait3A_164 = arith.constant 39 : i32
        %dma_wait3A_165 = arith.constant 0 : i32
        %dma_wait3A_166 = tpu.memref_slice %arg7[%dma_wait3A_164, %dma_wait3A_165] : memref<40x256xi32, #tpu.memory_space<vmem>> -> memref<1x256xi32, #tpu.memory_space<vmem>>
        %dma_wait3A_167 = arith.constant 0 : i32
        %dma_wait3A_168 = tpu.memref_slice %arg2[%add3A_149, %dma_wait3A_167] : memref<1250x256xi32, #tpu.memory_space<hbm>> -> memref<1x256xi32, #tpu.memory_space<hbm>>
        tpu.wait_dma2 semaphore(%run_scoped3A : memref<!tpu.dma_semaphore, #tpu.memory_space<semaphore_mem>>) src(%dma_wait3A_168 : memref<1x256xi32, #tpu.memory_space<hbm>>) dst(%dma_wait3A_166 : memref<1x256xi32, #tpu.memory_space<vmem>>)
        tpu.yield
      }) : () -> ()
    } else {
    }
    "tpu.region"() ({
      %run_scoped3A = tpu.sem_alloc : memref<!tpu.dma_semaphore, #tpu.memory_space<semaphore_mem>>
      %dma_start3A_148 = arith.constant 0 : i32
      %dma_start3A_149 = arith.constant 0 : i32
      %dma_start3A_150 = tpu.memref_slice %arg8[%dma_start3A_148, %dma_start3A_149] : memref<40x256xi32, #tpu.memory_space<vmem>> -> memref<39x256xi32, #tpu.memory_space<vmem>>
      %dma_start3A_151 = arith.constant 0 : i32
      %dma_start3A_152 = tpu.memref_slice %arg3[%add3A_6, %dma_start3A_151] : memref<1250x256xi32, #tpu.memory_space<hbm>> -> memref<39x256xi32, #tpu.memory_space<hbm>>
      %dma_start3A_153 = arith.constant 0 : i32
      %dma_start3A_154 = arith.constant 0 : i32
      %dma_start3A_155 = tpu.memref_slice %arg8[%dma_start3A_153, %dma_start3A_154] : memref<40x256xi32, #tpu.memory_space<vmem>> -> memref<39x256xi32, #tpu.memory_space<vmem>>
      %dma_start3A_156 = arith.constant 0 : i32
      %dma_start3A_157 = tpu.memref_slice %arg3[%add3A_6, %dma_start3A_156] : memref<1250x256xi32, #tpu.memory_space<hbm>> -> memref<39x256xi32, #tpu.memory_space<hbm>>
      tpu.enqueue_dma source(%dma_start3A_157 : memref<39x256xi32, #tpu.memory_space<hbm>>) target(%dma_start3A_155 : memref<39x256xi32, #tpu.memory_space<vmem>>) target_semaphore(%run_scoped3A : memref<!tpu.dma_semaphore, #tpu.memory_space<semaphore_mem>>)
      %dma_wait3A = arith.constant 0 : i32
      %dma_wait3A_158 = arith.constant 0 : i32
      %dma_wait3A_159 = tpu.memref_slice %arg8[%dma_wait3A, %dma_wait3A_158] : memref<40x256xi32, #tpu.memory_space<vmem>> -> memref<39x256xi32, #tpu.memory_space<vmem>>
      %dma_wait3A_160 = arith.constant 0 : i32
      %dma_wait3A_161 = tpu.memref_slice %arg3[%add3A_6, %dma_wait3A_160] : memref<1250x256xi32, #tpu.memory_space<hbm>> -> memref<39x256xi32, #tpu.memory_space<hbm>>
      %dma_wait3A_162 = arith.constant 0 : i32
      %dma_wait3A_163 = arith.constant 0 : i32
      %dma_wait3A_164 = tpu.memref_slice %arg8[%dma_wait3A_162, %dma_wait3A_163] : memref<40x256xi32, #tpu.memory_space<vmem>> -> memref<39x256xi32, #tpu.memory_space<vmem>>
      %dma_wait3A_165 = arith.constant 0 : i32
      %dma_wait3A_166 = tpu.memref_slice %arg3[%add3A_6, %dma_wait3A_165] : memref<1250x256xi32, #tpu.memory_space<hbm>> -> memref<39x256xi32, #tpu.memory_space<hbm>>
      tpu.wait_dma2 semaphore(%run_scoped3A : memref<!tpu.dma_semaphore, #tpu.memory_space<semaphore_mem>>) src(%dma_wait3A_166 : memref<39x256xi32, #tpu.memory_space<hbm>>) dst(%dma_wait3A_164 : memref<39x256xi32, #tpu.memory_space<vmem>>)
      tpu.yield
    }) : () -> ()
    %lt3A_14 = arith.constant 2 : i32
    %lt3A_15 = arith.cmpi slt, %add3A, %lt3A_14 : i32
    %convert_element_type3A_16 = arith.extui %lt3A_15 : i1 to i32
    %cond3A_17 = arith.constant 0 : i32
    %cond3A_18 = arith.cmpi ne, %convert_element_type3A_16, %cond3A_17 : i32
    scf.if %cond3A_18 {
      %add3A_148 = arith.constant 39 : i32
      %add3A_149 = arith.addi %add3A_6, %add3A_148 : i32
      "tpu.region"() ({
        %run_scoped3A = tpu.sem_alloc : memref<!tpu.dma_semaphore, #tpu.memory_space<semaphore_mem>>
        %dma_start3A_150 = arith.constant 39 : i32
        %dma_start3A_151 = arith.constant 0 : i32
        %dma_start3A_152 = tpu.memref_slice %arg8[%dma_start3A_150, %dma_start3A_151] : memref<40x256xi32, #tpu.memory_space<vmem>> -> memref<1x256xi32, #tpu.memory_space<vmem>>
        %dma_start3A_153 = arith.constant 0 : i32
        %dma_start3A_154 = tpu.memref_slice %arg3[%add3A_149, %dma_start3A_153] : memref<1250x256xi32, #tpu.memory_space<hbm>> -> memref<1x256xi32, #tpu.memory_space<hbm>>
        %dma_start3A_155 = arith.constant 39 : i32
        %dma_start3A_156 = arith.constant 0 : i32
        %dma_start3A_157 = tpu.memref_slice %arg8[%dma_start3A_155, %dma_start3A_156] : memref<40x256xi32, #tpu.memory_space<vmem>> -> memref<1x256xi32, #tpu.memory_space<vmem>>
        %dma_start3A_158 = arith.constant 0 : i32
        %dma_start3A_159 = tpu.memref_slice %arg3[%add3A_149, %dma_start3A_158] : memref<1250x256xi32, #tpu.memory_space<hbm>> -> memref<1x256xi32, #tpu.memory_space<hbm>>
        tpu.enqueue_dma source(%dma_start3A_159 : memref<1x256xi32, #tpu.memory_space<hbm>>) target(%dma_start3A_157 : memref<1x256xi32, #tpu.memory_space<vmem>>) target_semaphore(%run_scoped3A : memref<!tpu.dma_semaphore, #tpu.memory_space<semaphore_mem>>)
        %dma_wait3A = arith.constant 39 : i32
        %dma_wait3A_160 = arith.constant 0 : i32
        %dma_wait3A_161 = tpu.memref_slice %arg8[%dma_wait3A, %dma_wait3A_160] : memref<40x256xi32, #tpu.memory_space<vmem>> -> memref<1x256xi32, #tpu.memory_space<vmem>>
        %dma_wait3A_162 = arith.constant 0 : i32
        %dma_wait3A_163 = tpu.memref_slice %arg3[%add3A_149, %dma_wait3A_162] : memref<1250x256xi32, #tpu.memory_space<hbm>> -> memref<1x256xi32, #tpu.memory_space<hbm>>
        %dma_wait3A_164 = arith.constant 39 : i32
        %dma_wait3A_165 = arith.constant 0 : i32
        %dma_wait3A_166 = tpu.memref_slice %arg8[%dma_wait3A_164, %dma_wait3A_165] : memref<40x256xi32, #tpu.memory_space<vmem>> -> memref<1x256xi32, #tpu.memory_space<vmem>>
        %dma_wait3A_167 = arith.constant 0 : i32
        %dma_wait3A_168 = tpu.memref_slice %arg3[%add3A_149, %dma_wait3A_167] : memref<1250x256xi32, #tpu.memory_space<hbm>> -> memref<1x256xi32, #tpu.memory_space<hbm>>
        tpu.wait_dma2 semaphore(%run_scoped3A : memref<!tpu.dma_semaphore, #tpu.memory_space<semaphore_mem>>) src(%dma_wait3A_168 : memref<1x256xi32, #tpu.memory_space<hbm>>) dst(%dma_wait3A_166 : memref<1x256xi32, #tpu.memory_space<vmem>>)
        tpu.yield
      }) : () -> ()
    } else {
    }
    %barrier3A = arith.constant 0 : index
    tpu.barrier barrier_id(%barrier3A)
    %dma_start3A = arith.constant 0 : i32
    %dma_start3A_19 = arith.constant 0 : i32
    %dma_start3A_20 = arith.constant 0 : i32
    %dma_start3A_21 = arith.constant 0 : i32
    %dma_start3A_22 = arith.constant 0 : i32
    %dma_start3A_23 = tpu.memref_slice %arg9[%dma_start3A_19, %dma_start3A_21, %dma_start3A_22] : memref<8x256x32xf32, #tpu.memory_space<vmem>> -> memref<1x256x32xf32, #tpu.memory_space<vmem>>
    %dma_start3A_24 = tpu.memref_squeeze %dma_start3A_23 : memref<1x256x32xf32, #tpu.memory_space<vmem>> -> memref<256x32xf32, #tpu.memory_space<vmem>>
    %dma_start3A_25 = arith.constant 0 : i32
    %dma_start3A_26 = tpu.memref_slice %arg7[%dma_start3A, %dma_start3A_25] : memref<40x256xi32, #tpu.memory_space<vmem>> -> memref<1x256xi32, #tpu.memory_space<vmem>>
    %dma_start3A_27 = tpu.memref_squeeze %dma_start3A_26 : memref<1x256xi32, #tpu.memory_space<vmem>> -> memref<256xi32, #tpu.memory_space<vmem>>
    %dma_start3A_28 = arith.constant 0 : i32
    %dma_start3A_29 = arith.constant 0 : i32
    %dma_start3A_30 = tpu.memref_slice %arg4[%dma_start3A_28, %dma_start3A_29] : memref<10240x32xf32, #tpu.memory_space<hbm>> -> memref<10240x32xf32, #tpu.memory_space<hbm>>
    %dma_start3A_31 = tpu.memref_slice %arg11[%dma_start3A_20] : memref<8x!tpu.dma_semaphore, #tpu.memory_space<semaphore_mem>> -> memref<1x!tpu.dma_semaphore, #tpu.memory_space<semaphore_mem>>
    %dma_start3A_32 = tpu.memref_squeeze %dma_start3A_31 : memref<1x!tpu.dma_semaphore, #tpu.memory_space<semaphore_mem>> -> memref<!tpu.dma_semaphore, #tpu.memory_space<semaphore_mem>>
    tpu.enqueue_indirect_dma source(%dma_start3A_30 : memref<10240x32xf32, #tpu.memory_space<hbm>>) target(%dma_start3A_24 : memref<256x32xf32, #tpu.memory_space<vmem>>) offsets(%dma_start3A_27 : memref<256xi32, #tpu.memory_space<vmem>>) semaphore(%dma_start3A_32 : memref<!tpu.dma_semaphore, #tpu.memory_space<semaphore_mem>>)
    %dma_start3A_33 = arith.constant 1 : i32
    %dma_start3A_34 = arith.constant 1 : i32
    %dma_start3A_35 = arith.constant 1 : i32
    %dma_start3A_36 = arith.constant 0 : i32
    %dma_start3A_37 = arith.constant 0 : i32
    %dma_start3A_38 = tpu.memref_slice %arg9[%dma_start3A_34, %dma_start3A_36, %dma_start3A_37] : memref<8x256x32xf32, #tpu.memory_space<vmem>> -> memref<1x256x32xf32, #tpu.memory_space<vmem>>
    %dma_start3A_39 = tpu.memref_squeeze %dma_start3A_38 : memref<1x256x32xf32, #tpu.memory_space<vmem>> -> memref<256x32xf32, #tpu.memory_space<vmem>>
    %dma_start3A_40 = arith.constant 0 : i32
    %dma_start3A_41 = tpu.memref_slice %arg7[%dma_start3A_33, %dma_start3A_40] : memref<40x256xi32, #tpu.memory_space<vmem>> -> memref<1x256xi32, #tpu.memory_space<vmem>>
    %dma_start3A_42 = tpu.memref_squeeze %dma_start3A_41 : memref<1x256xi32, #tpu.memory_space<vmem>> -> memref<256xi32, #tpu.memory_space<vmem>>
    %dma_start3A_43 = arith.constant 0 : i32
    %dma_start3A_44 = arith.constant 0 : i32
    %dma_start3A_45 = tpu.memref_slice %arg4[%dma_start3A_43, %dma_start3A_44] : memref<10240x32xf32, #tpu.memory_space<hbm>> -> memref<10240x32xf32, #tpu.memory_space<hbm>>
    %dma_start3A_46 = tpu.memref_slice %arg11[%dma_start3A_35] : memref<8x!tpu.dma_semaphore, #tpu.memory_space<semaphore_mem>> -> memref<1x!tpu.dma_semaphore, #tpu.memory_space<semaphore_mem>>
    %dma_start3A_47 = tpu.memref_squeeze %dma_start3A_46 : memref<1x!tpu.dma_semaphore, #tpu.memory_space<semaphore_mem>> -> memref<!tpu.dma_semaphore, #tpu.memory_space<semaphore_mem>>
    tpu.enqueue_indirect_dma source(%dma_start3A_45 : memref<10240x32xf32, #tpu.memory_space<hbm>>) target(%dma_start3A_39 : memref<256x32xf32, #tpu.memory_space<vmem>>) offsets(%dma_start3A_42 : memref<256xi32, #tpu.memory_space<vmem>>) semaphore(%dma_start3A_47 : memref<!tpu.dma_semaphore, #tpu.memory_space<semaphore_mem>>)
    %dma_start3A_48 = arith.constant 2 : i32
    %dma_start3A_49 = arith.constant 2 : i32
    %dma_start3A_50 = arith.constant 2 : i32
    %dma_start3A_51 = arith.constant 0 : i32
    %dma_start3A_52 = arith.constant 0 : i32
    %dma_start3A_53 = tpu.memref_slice %arg9[%dma_start3A_49, %dma_start3A_51, %dma_start3A_52] : memref<8x256x32xf32, #tpu.memory_space<vmem>> -> memref<1x256x32xf32, #tpu.memory_space<vmem>>
    %dma_start3A_54 = tpu.memref_squeeze %dma_start3A_53 : memref<1x256x32xf32, #tpu.memory_space<vmem>> -> memref<256x32xf32, #tpu.memory_space<vmem>>
    %dma_start3A_55 = arith.constant 0 : i32
    %dma_start3A_56 = tpu.memref_slice %arg7[%dma_start3A_48, %dma_start3A_55] : memref<40x256xi32, #tpu.memory_space<vmem>> -> memref<1x256xi32, #tpu.memory_space<vmem>>
    %dma_start3A_57 = tpu.memref_squeeze %dma_start3A_56 : memref<1x256xi32, #tpu.memory_space<vmem>> -> memref<256xi32, #tpu.memory_space<vmem>>
    %dma_start3A_58 = arith.constant 0 : i32
    %dma_start3A_59 = arith.constant 0 : i32
    %dma_start3A_60 = tpu.memref_slice %arg4[%dma_start3A_58, %dma_start3A_59] : memref<10240x32xf32, #tpu.memory_space<hbm>> -> memref<10240x32xf32, #tpu.memory_space<hbm>>
    %dma_start3A_61 = tpu.memref_slice %arg11[%dma_start3A_50] : memref<8x!tpu.dma_semaphore, #tpu.memory_space<semaphore_mem>> -> memref<1x!tpu.dma_semaphore, #tpu.memory_space<semaphore_mem>>
    %dma_start3A_62 = tpu.memref_squeeze %dma_start3A_61 : memref<1x!tpu.dma_semaphore, #tpu.memory_space<semaphore_mem>> -> memref<!tpu.dma_semaphore, #tpu.memory_space<semaphore_mem>>
    tpu.enqueue_indirect_dma source(%dma_start3A_60 : memref<10240x32xf32, #tpu.memory_space<hbm>>) target(%dma_start3A_54 : memref<256x32xf32, #tpu.memory_space<vmem>>) offsets(%dma_start3A_57 : memref<256xi32, #tpu.memory_space<vmem>>) semaphore(%dma_start3A_62 : memref<!tpu.dma_semaphore, #tpu.memory_space<semaphore_mem>>)
    %dma_start3A_63 = arith.constant 3 : i32
    %dma_start3A_64 = arith.constant 3 : i32
    %dma_start3A_65 = arith.constant 3 : i32
    %dma_start3A_66 = arith.constant 0 : i32
    %dma_start3A_67 = arith.constant 0 : i32
    %dma_start3A_68 = tpu.memref_slice %arg9[%dma_start3A_64, %dma_start3A_66, %dma_start3A_67] : memref<8x256x32xf32, #tpu.memory_space<vmem>> -> memref<1x256x32xf32, #tpu.memory_space<vmem>>
    %dma_start3A_69 = tpu.memref_squeeze %dma_start3A_68 : memref<1x256x32xf32, #tpu.memory_space<vmem>> -> memref<256x32xf32, #tpu.memory_space<vmem>>
    %dma_start3A_70 = arith.constant 0 : i32
    %dma_start3A_71 = tpu.memref_slice %arg7[%dma_start3A_63, %dma_start3A_70] : memref<40x256xi32, #tpu.memory_space<vmem>> -> memref<1x256xi32, #tpu.memory_space<vmem>>
    %dma_start3A_72 = tpu.memref_squeeze %dma_start3A_71 : memref<1x256xi32, #tpu.memory_space<vmem>> -> memref<256xi32, #tpu.memory_space<vmem>>
    %dma_start3A_73 = arith.constant 0 : i32
    %dma_start3A_74 = arith.constant 0 : i32
    %dma_start3A_75 = tpu.memref_slice %arg4[%dma_start3A_73, %dma_start3A_74] : memref<10240x32xf32, #tpu.memory_space<hbm>> -> memref<10240x32xf32, #tpu.memory_space<hbm>>
    %dma_start3A_76 = tpu.memref_slice %arg11[%dma_start3A_65] : memref<8x!tpu.dma_semaphore, #tpu.memory_space<semaphore_mem>> -> memref<1x!tpu.dma_semaphore, #tpu.memory_space<semaphore_mem>>
    %dma_start3A_77 = tpu.memref_squeeze %dma_start3A_76 : memref<1x!tpu.dma_semaphore, #tpu.memory_space<semaphore_mem>> -> memref<!tpu.dma_semaphore, #tpu.memory_space<semaphore_mem>>
    tpu.enqueue_indirect_dma source(%dma_start3A_75 : memref<10240x32xf32, #tpu.memory_space<hbm>>) target(%dma_start3A_69 : memref<256x32xf32, #tpu.memory_space<vmem>>) offsets(%dma_start3A_72 : memref<256xi32, #tpu.memory_space<vmem>>) semaphore(%dma_start3A_77 : memref<!tpu.dma_semaphore, #tpu.memory_space<semaphore_mem>>)
    %dma_start3A_78 = arith.constant 4 : i32
    %dma_start3A_79 = arith.constant 4 : i32
    %dma_start3A_80 = arith.constant 4 : i32
    %dma_start3A_81 = arith.constant 0 : i32
    %dma_start3A_82 = arith.constant 0 : i32
    %dma_start3A_83 = tpu.memref_slice %arg9[%dma_start3A_79, %dma_start3A_81, %dma_start3A_82] : memref<8x256x32xf32, #tpu.memory_space<vmem>> -> memref<1x256x32xf32, #tpu.memory_space<vmem>>
    %dma_start3A_84 = tpu.memref_squeeze %dma_start3A_83 : memref<1x256x32xf32, #tpu.memory_space<vmem>> -> memref<256x32xf32, #tpu.memory_space<vmem>>
    %dma_start3A_85 = arith.constant 0 : i32
    %dma_start3A_86 = tpu.memref_slice %arg7[%dma_start3A_78, %dma_start3A_85] : memref<40x256xi32, #tpu.memory_space<vmem>> -> memref<1x256xi32, #tpu.memory_space<vmem>>
    %dma_start3A_87 = tpu.memref_squeeze %dma_start3A_86 : memref<1x256xi32, #tpu.memory_space<vmem>> -> memref<256xi32, #tpu.memory_space<vmem>>
    %dma_start3A_88 = arith.constant 0 : i32
    %dma_start3A_89 = arith.constant 0 : i32
    %dma_start3A_90 = tpu.memref_slice %arg4[%dma_start3A_88, %dma_start3A_89] : memref<10240x32xf32, #tpu.memory_space<hbm>> -> memref<10240x32xf32, #tpu.memory_space<hbm>>
    %dma_start3A_91 = tpu.memref_slice %arg11[%dma_start3A_80] : memref<8x!tpu.dma_semaphore, #tpu.memory_space<semaphore_mem>> -> memref<1x!tpu.dma_semaphore, #tpu.memory_space<semaphore_mem>>
    %dma_start3A_92 = tpu.memref_squeeze %dma_start3A_91 : memref<1x!tpu.dma_semaphore, #tpu.memory_space<semaphore_mem>> -> memref<!tpu.dma_semaphore, #tpu.memory_space<semaphore_mem>>
    tpu.enqueue_indirect_dma source(%dma_start3A_90 : memref<10240x32xf32, #tpu.memory_space<hbm>>) target(%dma_start3A_84 : memref<256x32xf32, #tpu.memory_space<vmem>>) offsets(%dma_start3A_87 : memref<256xi32, #tpu.memory_space<vmem>>) semaphore(%dma_start3A_92 : memref<!tpu.dma_semaphore, #tpu.memory_space<semaphore_mem>>)
    %dma_start3A_93 = arith.constant 5 : i32
    %dma_start3A_94 = arith.constant 5 : i32
    %dma_start3A_95 = arith.constant 5 : i32
    %dma_start3A_96 = arith.constant 0 : i32
    %dma_start3A_97 = arith.constant 0 : i32
    %dma_start3A_98 = tpu.memref_slice %arg9[%dma_start3A_94, %dma_start3A_96, %dma_start3A_97] : memref<8x256x32xf32, #tpu.memory_space<vmem>> -> memref<1x256x32xf32, #tpu.memory_space<vmem>>
    %dma_start3A_99 = tpu.memref_squeeze %dma_start3A_98 : memref<1x256x32xf32, #tpu.memory_space<vmem>> -> memref<256x32xf32, #tpu.memory_space<vmem>>
    %dma_start3A_100 = arith.constant 0 : i32
    %dma_start3A_101 = tpu.memref_slice %arg7[%dma_start3A_93, %dma_start3A_100] : memref<40x256xi32, #tpu.memory_space<vmem>> -> memref<1x256xi32, #tpu.memory_space<vmem>>
    %dma_start3A_102 = tpu.memref_squeeze %dma_start3A_101 : memref<1x256xi32, #tpu.memory_space<vmem>> -> memref<256xi32, #tpu.memory_space<vmem>>
    %dma_start3A_103 = arith.constant 0 : i32
    %dma_start3A_104 = arith.constant 0 : i32
    %dma_start3A_105 = tpu.memref_slice %arg4[%dma_start3A_103, %dma_start3A_104] : memref<10240x32xf32, #tpu.memory_space<hbm>> -> memref<10240x32xf32, #tpu.memory_space<hbm>>
    %dma_start3A_106 = tpu.memref_slice %arg11[%dma_start3A_95] : memref<8x!tpu.dma_semaphore, #tpu.memory_space<semaphore_mem>> -> memref<1x!tpu.dma_semaphore, #tpu.memory_space<semaphore_mem>>
    %dma_start3A_107 = tpu.memref_squeeze %dma_start3A_106 : memref<1x!tpu.dma_semaphore, #tpu.memory_space<semaphore_mem>> -> memref<!tpu.dma_semaphore, #tpu.memory_space<semaphore_mem>>
    tpu.enqueue_indirect_dma source(%dma_start3A_105 : memref<10240x32xf32, #tpu.memory_space<hbm>>) target(%dma_start3A_99 : memref<256x32xf32, #tpu.memory_space<vmem>>) offsets(%dma_start3A_102 : memref<256xi32, #tpu.memory_space<vmem>>) semaphore(%dma_start3A_107 : memref<!tpu.dma_semaphore, #tpu.memory_space<semaphore_mem>>)
    %dma_start3A_108 = arith.constant 6 : i32
    %dma_start3A_109 = arith.constant 6 : i32
    %dma_start3A_110 = arith.constant 6 : i32
    %dma_start3A_111 = arith.constant 0 : i32
    %dma_start3A_112 = arith.constant 0 : i32
    %dma_start3A_113 = tpu.memref_slice %arg9[%dma_start3A_109, %dma_start3A_111, %dma_start3A_112] : memref<8x256x32xf32, #tpu.memory_space<vmem>> -> memref<1x256x32xf32, #tpu.memory_space<vmem>>
    %dma_start3A_114 = tpu.memref_squeeze %dma_start3A_113 : memref<1x256x32xf32, #tpu.memory_space<vmem>> -> memref<256x32xf32, #tpu.memory_space<vmem>>
    %dma_start3A_115 = arith.constant 0 : i32
    %dma_start3A_116 = tpu.memref_slice %arg7[%dma_start3A_108, %dma_start3A_115] : memref<40x256xi32, #tpu.memory_space<vmem>> -> memref<1x256xi32, #tpu.memory_space<vmem>>
    %dma_start3A_117 = tpu.memref_squeeze %dma_start3A_116 : memref<1x256xi32, #tpu.memory_space<vmem>> -> memref<256xi32, #tpu.memory_space<vmem>>
    %dma_start3A_118 = arith.constant 0 : i32
    %dma_start3A_119 = arith.constant 0 : i32
    %dma_start3A_120 = tpu.memref_slice %arg4[%dma_start3A_118, %dma_start3A_119] : memref<10240x32xf32, #tpu.memory_space<hbm>> -> memref<10240x32xf32, #tpu.memory_space<hbm>>
    %dma_start3A_121 = tpu.memref_slice %arg11[%dma_start3A_110] : memref<8x!tpu.dma_semaphore, #tpu.memory_space<semaphore_mem>> -> memref<1x!tpu.dma_semaphore, #tpu.memory_space<semaphore_mem>>
    %dma_start3A_122 = tpu.memref_squeeze %dma_start3A_121 : memref<1x!tpu.dma_semaphore, #tpu.memory_space<semaphore_mem>> -> memref<!tpu.dma_semaphore, #tpu.memory_space<semaphore_mem>>
    tpu.enqueue_indirect_dma source(%dma_start3A_120 : memref<10240x32xf32, #tpu.memory_space<hbm>>) target(%dma_start3A_114 : memref<256x32xf32, #tpu.memory_space<vmem>>) offsets(%dma_start3A_117 : memref<256xi32, #tpu.memory_space<vmem>>) semaphore(%dma_start3A_122 : memref<!tpu.dma_semaphore, #tpu.memory_space<semaphore_mem>>)
    %dma_start3A_123 = arith.constant 7 : i32
    %dma_start3A_124 = arith.constant 7 : i32
    %dma_start3A_125 = arith.constant 7 : i32
    %dma_start3A_126 = arith.constant 0 : i32
    %dma_start3A_127 = arith.constant 0 : i32
    %dma_start3A_128 = tpu.memref_slice %arg9[%dma_start3A_124, %dma_start3A_126, %dma_start3A_127] : memref<8x256x32xf32, #tpu.memory_space<vmem>> -> memref<1x256x32xf32, #tpu.memory_space<vmem>>
    %dma_start3A_129 = tpu.memref_squeeze %dma_start3A_128 : memref<1x256x32xf32, #tpu.memory_space<vmem>> -> memref<256x32xf32, #tpu.memory_space<vmem>>
    %dma_start3A_130 = arith.constant 0 : i32
    %dma_start3A_131 = tpu.memref_slice %arg7[%dma_start3A_123, %dma_start3A_130] : memref<40x256xi32, #tpu.memory_space<vmem>> -> memref<1x256xi32, #tpu.memory_space<vmem>>
    %dma_start3A_132 = tpu.memref_squeeze %dma_start3A_131 : memref<1x256xi32, #tpu.memory_space<vmem>> -> memref<256xi32, #tpu.memory_space<vmem>>
    %dma_start3A_133 = arith.constant 0 : i32
    %dma_start3A_134 = arith.constant 0 : i32
    %dma_start3A_135 = tpu.memref_slice %arg4[%dma_start3A_133, %dma_start3A_134] : memref<10240x32xf32, #tpu.memory_space<hbm>> -> memref<10240x32xf32, #tpu.memory_space<hbm>>
    %dma_start3A_136 = tpu.memref_slice %arg11[%dma_start3A_125] : memref<8x!tpu.dma_semaphore, #tpu.memory_space<semaphore_mem>> -> memref<1x!tpu.dma_semaphore, #tpu.memory_space<semaphore_mem>>
    %dma_start3A_137 = tpu.memref_squeeze %dma_start3A_136 : memref<1x!tpu.dma_semaphore, #tpu.memory_space<semaphore_mem>> -> memref<!tpu.dma_semaphore, #tpu.memory_space<semaphore_mem>>
    tpu.enqueue_indirect_dma source(%dma_start3A_135 : memref<10240x32xf32, #tpu.memory_space<hbm>>) target(%dma_start3A_129 : memref<256x32xf32, #tpu.memory_space<vmem>>) offsets(%dma_start3A_132 : memref<256xi32, #tpu.memory_space<vmem>>) semaphore(%dma_start3A_137 : memref<!tpu.dma_semaphore, #tpu.memory_space<semaphore_mem>>)
    %while3A = arith.constant 0 : i32
    %while3A_138 = arith.constant 0 : i32
    %while3A_139 = arith.subi %add3A_9, %while3A_138 : i32
    %while3A_140 = arith.addi %while3A_138, %while3A_139 : i32
    %while3A_141 = arith.constant 1 : i32
    %while3A_142 = arith.divsi %while3A_139, %while3A_141 : i32
    %while3A_143 = arith.muli %while3A_142, %while3A_141 : i32
    %while3A_144 = arith.addi %while3A_138, %while3A_143 : i32
    %while3A_145 = arith.constant 1 : i32
    scf.for %while3A_148 = %while3A_138 to %while3A_144 step %while3A_145  : i32 {
      %rem3A = arith.constant 8 : i32
      %rem3A_149 = arith.remsi %while3A_148, %rem3A : i32
      %dma_wait3A = arith.constant 0 : i32
      %dma_wait3A_150 = arith.constant 0 : i32
      %dma_wait3A_151 = tpu.memref_slice %arg9[%rem3A_149, %dma_wait3A, %dma_wait3A_150] : memref<8x256x32xf32, #tpu.memory_space<vmem>> -> memref<1x256x32xf32, #tpu.memory_space<vmem>>
      %dma_wait3A_152 = tpu.memref_squeeze %dma_wait3A_151 : memref<1x256x32xf32, #tpu.memory_space<vmem>> -> memref<256x32xf32, #tpu.memory_space<vmem>>
      %dma_wait3A_153 = arith.constant 0 : i32
      %dma_wait3A_154 = tpu.memref_slice %arg7[%while3A_148, %dma_wait3A_153] : memref<40x256xi32, #tpu.memory_space<vmem>> -> memref<1x256xi32, #tpu.memory_space<vmem>>
      %dma_wait3A_155 = tpu.memref_squeeze %dma_wait3A_154 : memref<1x256xi32, #tpu.memory_space<vmem>> -> memref<256xi32, #tpu.memory_space<vmem>>
      %dma_wait3A_156 = arith.constant 0 : i32
      %dma_wait3A_157 = arith.constant 0 : i32
      %dma_wait3A_158 = tpu.memref_slice %arg4[%dma_wait3A_156, %dma_wait3A_157] : memref<10240x32xf32, #tpu.memory_space<hbm>> -> memref<10240x32xf32, #tpu.memory_space<hbm>>
      %dma_wait3A_159 = tpu.memref_slice %arg11[%rem3A_149] : memref<8x!tpu.dma_semaphore, #tpu.memory_space<semaphore_mem>> -> memref<1x!tpu.dma_semaphore, #tpu.memory_space<semaphore_mem>>
      %dma_wait3A_160 = tpu.memref_squeeze %dma_wait3A_159 : memref<1x!tpu.dma_semaphore, #tpu.memory_space<semaphore_mem>> -> memref<!tpu.dma_semaphore, #tpu.memory_space<semaphore_mem>>
      tpu.wait_indirect_dma semaphore(%dma_wait3A_160 : memref<!tpu.dma_semaphore, #tpu.memory_space<semaphore_mem>>) src(%dma_wait3A_158 : memref<10240x32xf32, #tpu.memory_space<hbm>>) dst(%dma_wait3A_152 : memref<256x32xf32, #tpu.memory_space<vmem>>)
      "tpu.region"() ({
        %run_scoped3A = tpu.sem_alloc : memref<!tpu.dma_semaphore, #tpu.memory_space<semaphore_mem>>
        %dma_start3A_167 = arith.constant 0 : i32
        %dma_start3A_168 = arith.constant 0 : i32
        %dma_start3A_169 = tpu.memref_slice %arg9[%rem3A_149, %dma_start3A_167, %dma_start3A_168] : memref<8x256x32xf32, #tpu.memory_space<vmem>> -> memref<1x256x32xf32, #tpu.memory_space<vmem>>
        %dma_start3A_170 = tpu.memref_squeeze %dma_start3A_169 : memref<1x256x32xf32, #tpu.memory_space<vmem>> -> memref<256x32xf32, #tpu.memory_space<vmem>>
        %dma_start3A_171 = arith.constant 0 : i32
        %dma_start3A_172 = tpu.memref_slice %arg8[%while3A_148, %dma_start3A_171] : memref<40x256xi32, #tpu.memory_space<vmem>> -> memref<1x256xi32, #tpu.memory_space<vmem>>
        %dma_start3A_173 = tpu.memref_squeeze %dma_start3A_172 : memref<1x256xi32, #tpu.memory_space<vmem>> -> memref<256xi32, #tpu.memory_space<vmem>>
        %dma_start3A_174 = arith.constant 0 : i32
        %dma_start3A_175 = arith.constant 0 : i32
        %dma_start3A_176 = tpu.memref_slice %arg10[%dma_start3A_174, %dma_start3A_175] : memref<10240x32xf32, #tpu.memory_space<vmem_shared>> -> memref<10240x32xf32, #tpu.memory_space<vmem_shared>>
        tpu.enqueue_indirect_dma source(%dma_start3A_170 : memref<256x32xf32, #tpu.memory_space<vmem>>) target(%dma_start3A_176 : memref<10240x32xf32, #tpu.memory_space<vmem_shared>>) offsets(%dma_start3A_173 : memref<256xi32, #tpu.memory_space<vmem>>) semaphore(%run_scoped3A : memref<!tpu.dma_semaphore, #tpu.memory_space<semaphore_mem>>) {add = true}
        %dma_wait3A_177 = arith.constant 0 : i32
        %dma_wait3A_178 = arith.constant 0 : i32
        %dma_wait3A_179 = tpu.memref_slice %arg9[%rem3A_149, %dma_wait3A_177, %dma_wait3A_178] : memref<8x256x32xf32, #tpu.memory_space<vmem>> -> memref<1x256x32xf32, #tpu.memory_space<vmem>>
        %dma_wait3A_180 = tpu.memref_squeeze %dma_wait3A_179 : memref<1x256x32xf32, #tpu.memory_space<vmem>> -> memref<256x32xf32, #tpu.memory_space<vmem>>
        %dma_wait3A_181 = arith.constant 0 : i32
        %dma_wait3A_182 = tpu.memref_slice %arg8[%while3A_148, %dma_wait3A_181] : memref<40x256xi32, #tpu.memory_space<vmem>> -> memref<1x256xi32, #tpu.memory_space<vmem>>
        %dma_wait3A_183 = tpu.memref_squeeze %dma_wait3A_182 : memref<1x256xi32, #tpu.memory_space<vmem>> -> memref<256xi32, #tpu.memory_space<vmem>>
        %dma_wait3A_184 = arith.constant 0 : i32
        %dma_wait3A_185 = arith.constant 0 : i32
        %dma_wait3A_186 = tpu.memref_slice %arg10[%dma_wait3A_184, %dma_wait3A_185] : memref<10240x32xf32, #tpu.memory_space<vmem_shared>> -> memref<10240x32xf32, #tpu.memory_space<vmem_shared>>
        tpu.wait_indirect_dma semaphore(%run_scoped3A : memref<!tpu.dma_semaphore, #tpu.memory_space<semaphore_mem>>) src(%dma_wait3A_180 : memref<256x32xf32, #tpu.memory_space<vmem>>) dst(%dma_wait3A_186 : memref<10240x32xf32, #tpu.memory_space<vmem_shared>>)
        tpu.yield
      }) : () -> ()
      %add3A_161 = arith.constant 8 : i32
      %add3A_162 = arith.addi %while3A_148, %add3A_161 : i32
      %lt3A_163 = arith.cmpi slt, %add3A_162, %add3A_9 : i32
      %convert_element_type3A_164 = arith.extui %lt3A_163 : i1 to i32
      %cond3A_165 = arith.constant 0 : i32
      %cond3A_166 = arith.cmpi ne, %convert_element_type3A_164, %cond3A_165 : i32
      scf.if %cond3A_166 {
        %add3A_167 = arith.constant 8 : i32
        %add3A_168 = arith.addi %while3A_148, %add3A_167 : i32
        %dma_start3A_169 = arith.constant 0 : i32
        %dma_start3A_170 = arith.constant 0 : i32
        %dma_start3A_171 = tpu.memref_slice %arg9[%rem3A_149, %dma_start3A_169, %dma_start3A_170] : memref<8x256x32xf32, #tpu.memory_space<vmem>> -> memref<1x256x32xf32, #tpu.memory_space<vmem>>
        %dma_start3A_172 = tpu.memref_squeeze %dma_start3A_171 : memref<1x256x32xf32, #tpu.memory_space<vmem>> -> memref<256x32xf32, #tpu.memory_space<vmem>>
        %dma_start3A_173 = arith.constant 0 : i32
        %dma_start3A_174 = tpu.memref_slice %arg7[%add3A_168, %dma_start3A_173] : memref<40x256xi32, #tpu.memory_space<vmem>> -> memref<1x256xi32, #tpu.memory_space<vmem>>
        %dma_start3A_175 = tpu.memref_squeeze %dma_start3A_174 : memref<1x256xi32, #tpu.memory_space<vmem>> -> memref<256xi32, #tpu.memory_space<vmem>>
        %dma_start3A_176 = arith.constant 0 : i32
        %dma_start3A_177 = arith.constant 0 : i32
        %dma_start3A_178 = tpu.memref_slice %arg4[%dma_start3A_176, %dma_start3A_177] : memref<10240x32xf32, #tpu.memory_space<hbm>> -> memref<10240x32xf32, #tpu.memory_space<hbm>>
        %dma_start3A_179 = tpu.memref_slice %arg11[%rem3A_149] : memref<8x!tpu.dma_semaphore, #tpu.memory_space<semaphore_mem>> -> memref<1x!tpu.dma_semaphore, #tpu.memory_space<semaphore_mem>>
        %dma_start3A_180 = tpu.memref_squeeze %dma_start3A_179 : memref<1x!tpu.dma_semaphore, #tpu.memory_space<semaphore_mem>> -> memref<!tpu.dma_semaphore, #tpu.memory_space<semaphore_mem>>
        tpu.enqueue_indirect_dma source(%dma_start3A_178 : memref<10240x32xf32, #tpu.memory_space<hbm>>) target(%dma_start3A_172 : memref<256x32xf32, #tpu.memory_space<vmem>>) offsets(%dma_start3A_175 : memref<256xi32, #tpu.memory_space<vmem>>) semaphore(%dma_start3A_180 : memref<!tpu.dma_semaphore, #tpu.memory_space<semaphore_mem>>)
      } else {
      }
    }
    %while3A_146 = arith.constant 1 : i32
    scf.for %while3A_148 = %while3A_144 to %while3A_140 step %while3A_146  : i32 {
      %rem3A = arith.constant 8 : i32
      %rem3A_149 = arith.remsi %while3A_148, %rem3A : i32
      %dma_wait3A = arith.constant 0 : i32
      %dma_wait3A_150 = arith.constant 0 : i32
      %dma_wait3A_151 = tpu.memref_slice %arg9[%rem3A_149, %dma_wait3A, %dma_wait3A_150] : memref<8x256x32xf32, #tpu.memory_space<vmem>> -> memref<1x256x32xf32, #tpu.memory_space<vmem>>
      %dma_wait3A_152 = tpu.memref_squeeze %dma_wait3A_151 : memref<1x256x32xf32, #tpu.memory_space<vmem>> -> memref<256x32xf32, #tpu.memory_space<vmem>>
      %dma_wait3A_153 = arith.constant 0 : i32
      %dma_wait3A_154 = tpu.memref_slice %arg7[%while3A_148, %dma_wait3A_153] : memref<40x256xi32, #tpu.memory_space<vmem>> -> memref<1x256xi32, #tpu.memory_space<vmem>>
      %dma_wait3A_155 = tpu.memref_squeeze %dma_wait3A_154 : memref<1x256xi32, #tpu.memory_space<vmem>> -> memref<256xi32, #tpu.memory_space<vmem>>
      %dma_wait3A_156 = arith.constant 0 : i32
      %dma_wait3A_157 = arith.constant 0 : i32
      %dma_wait3A_158 = tpu.memref_slice %arg4[%dma_wait3A_156, %dma_wait3A_157] : memref<10240x32xf32, #tpu.memory_space<hbm>> -> memref<10240x32xf32, #tpu.memory_space<hbm>>
      %dma_wait3A_159 = tpu.memref_slice %arg11[%rem3A_149] : memref<8x!tpu.dma_semaphore, #tpu.memory_space<semaphore_mem>> -> memref<1x!tpu.dma_semaphore, #tpu.memory_space<semaphore_mem>>
      %dma_wait3A_160 = tpu.memref_squeeze %dma_wait3A_159 : memref<1x!tpu.dma_semaphore, #tpu.memory_space<semaphore_mem>> -> memref<!tpu.dma_semaphore, #tpu.memory_space<semaphore_mem>>
      tpu.wait_indirect_dma semaphore(%dma_wait3A_160 : memref<!tpu.dma_semaphore, #tpu.memory_space<semaphore_mem>>) src(%dma_wait3A_158 : memref<10240x32xf32, #tpu.memory_space<hbm>>) dst(%dma_wait3A_152 : memref<256x32xf32, #tpu.memory_space<vmem>>)
      "tpu.region"() ({
        %run_scoped3A = tpu.sem_alloc : memref<!tpu.dma_semaphore, #tpu.memory_space<semaphore_mem>>
        %dma_start3A_167 = arith.constant 0 : i32
        %dma_start3A_168 = arith.constant 0 : i32
        %dma_start3A_169 = tpu.memref_slice %arg9[%rem3A_149, %dma_start3A_167, %dma_start3A_168] : memref<8x256x32xf32, #tpu.memory_space<vmem>> -> memref<1x256x32xf32, #tpu.memory_space<vmem>>
        %dma_start3A_170 = tpu.memref_squeeze %dma_start3A_169 : memref<1x256x32xf32, #tpu.memory_space<vmem>> -> memref<256x32xf32, #tpu.memory_space<vmem>>
        %dma_start3A_171 = arith.constant 0 : i32
        %dma_start3A_172 = tpu.memref_slice %arg8[%while3A_148, %dma_start3A_171] : memref<40x256xi32, #tpu.memory_space<vmem>> -> memref<1x256xi32, #tpu.memory_space<vmem>>
        %dma_start3A_173 = tpu.memref_squeeze %dma_start3A_172 : memref<1x256xi32, #tpu.memory_space<vmem>> -> memref<256xi32, #tpu.memory_space<vmem>>
        %dma_start3A_174 = arith.constant 0 : i32
        %dma_start3A_175 = arith.constant 0 : i32
        %dma_start3A_176 = tpu.memref_slice %arg10[%dma_start3A_174, %dma_start3A_175] : memref<10240x32xf32, #tpu.memory_space<vmem_shared>> -> memref<10240x32xf32, #tpu.memory_space<vmem_shared>>
        tpu.enqueue_indirect_dma source(%dma_start3A_170 : memref<256x32xf32, #tpu.memory_space<vmem>>) target(%dma_start3A_176 : memref<10240x32xf32, #tpu.memory_space<vmem_shared>>) offsets(%dma_start3A_173 : memref<256xi32, #tpu.memory_space<vmem>>) semaphore(%run_scoped3A : memref<!tpu.dma_semaphore, #tpu.memory_space<semaphore_mem>>) {add = true}
        %dma_wait3A_177 = arith.constant 0 : i32
        %dma_wait3A_178 = arith.constant 0 : i32
        %dma_wait3A_179 = tpu.memref_slice %arg9[%rem3A_149, %dma_wait3A_177, %dma_wait3A_178] : memref<8x256x32xf32, #tpu.memory_space<vmem>> -> memref<1x256x32xf32, #tpu.memory_space<vmem>>
        %dma_wait3A_180 = tpu.memref_squeeze %dma_wait3A_179 : memref<1x256x32xf32, #tpu.memory_space<vmem>> -> memref<256x32xf32, #tpu.memory_space<vmem>>
        %dma_wait3A_181 = arith.constant 0 : i32
        %dma_wait3A_182 = tpu.memref_slice %arg8[%while3A_148, %dma_wait3A_181] : memref<40x256xi32, #tpu.memory_space<vmem>> -> memref<1x256xi32, #tpu.memory_space<vmem>>
        %dma_wait3A_183 = tpu.memref_squeeze %dma_wait3A_182 : memref<1x256xi32, #tpu.memory_space<vmem>> -> memref<256xi32, #tpu.memory_space<vmem>>
        %dma_wait3A_184 = arith.constant 0 : i32
        %dma_wait3A_185 = arith.constant 0 : i32
        %dma_wait3A_186 = tpu.memref_slice %arg10[%dma_wait3A_184, %dma_wait3A_185] : memref<10240x32xf32, #tpu.memory_space<vmem_shared>> -> memref<10240x32xf32, #tpu.memory_space<vmem_shared>>
        tpu.wait_indirect_dma semaphore(%run_scoped3A : memref<!tpu.dma_semaphore, #tpu.memory_space<semaphore_mem>>) src(%dma_wait3A_180 : memref<256x32xf32, #tpu.memory_space<vmem>>) dst(%dma_wait3A_186 : memref<10240x32xf32, #tpu.memory_space<vmem_shared>>)
        tpu.yield
      }) : () -> ()
      %add3A_161 = arith.constant 8 : i32
      %add3A_162 = arith.addi %while3A_148, %add3A_161 : i32
      %lt3A_163 = arith.cmpi slt, %add3A_162, %add3A_9 : i32
      %convert_element_type3A_164 = arith.extui %lt3A_163 : i1 to i32
      %cond3A_165 = arith.constant 0 : i32
      %cond3A_166 = arith.cmpi ne, %convert_element_type3A_164, %cond3A_165 : i32
      scf.if %cond3A_166 {
        %add3A_167 = arith.constant 8 : i32
        %add3A_168 = arith.addi %while3A_148, %add3A_167 : i32
        %dma_start3A_169 = arith.constant 0 : i32
        %dma_start3A_170 = arith.constant 0 : i32
        %dma_start3A_171 = tpu.memref_slice %arg9[%rem3A_149, %dma_start3A_169, %dma_start3A_170] : memref<8x256x32xf32, #tpu.memory_space<vmem>> -> memref<1x256x32xf32, #tpu.memory_space<vmem>>
        %dma_start3A_172 = tpu.memref_squeeze %dma_start3A_171 : memref<1x256x32xf32, #tpu.memory_space<vmem>> -> memref<256x32xf32, #tpu.memory_space<vmem>>
        %dma_start3A_173 = arith.constant 0 : i32
        %dma_start3A_174 = tpu.memref_slice %arg7[%add3A_168, %dma_start3A_173] : memref<40x256xi32, #tpu.memory_space<vmem>> -> memref<1x256xi32, #tpu.memory_space<vmem>>
        %dma_start3A_175 = tpu.memref_squeeze %dma_start3A_174 : memref<1x256xi32, #tpu.memory_space<vmem>> -> memref<256xi32, #tpu.memory_space<vmem>>
        %dma_start3A_176 = arith.constant 0 : i32
        %dma_start3A_177 = arith.constant 0 : i32
        %dma_start3A_178 = tpu.memref_slice %arg4[%dma_start3A_176, %dma_start3A_177] : memref<10240x32xf32, #tpu.memory_space<hbm>> -> memref<10240x32xf32, #tpu.memory_space<hbm>>
        %dma_start3A_179 = tpu.memref_slice %arg11[%rem3A_149] : memref<8x!tpu.dma_semaphore, #tpu.memory_space<semaphore_mem>> -> memref<1x!tpu.dma_semaphore, #tpu.memory_space<semaphore_mem>>
        %dma_start3A_180 = tpu.memref_squeeze %dma_start3A_179 : memref<1x!tpu.dma_semaphore, #tpu.memory_space<semaphore_mem>> -> memref<!tpu.dma_semaphore, #tpu.memory_space<semaphore_mem>>
        tpu.enqueue_indirect_dma source(%dma_start3A_178 : memref<10240x32xf32, #tpu.memory_space<hbm>>) target(%dma_start3A_172 : memref<256x32xf32, #tpu.memory_space<vmem>>) offsets(%dma_start3A_175 : memref<256xi32, #tpu.memory_space<vmem>>) semaphore(%dma_start3A_180 : memref<!tpu.dma_semaphore, #tpu.memory_space<semaphore_mem>>)
      } else {
      }
    }
    %barrier3A_147 = arith.constant 0 : index
    tpu.barrier barrier_id(%barrier3A_147)
    "tpu.region"() ({
      %run_scoped3A = tpu.sem_alloc : memref<!tpu.dma_semaphore, #tpu.memory_space<semaphore_mem>>
      %dma_start3A_148 = arith.constant 0 : i32
      %dma_start3A_149 = tpu.memref_slice %arg6[%arg0, %mul3A_2, %dma_start3A_148] : memref<2x10240x32xf32, #tpu.memory_space<hbm>> -> memref<1x640x32xf32, #tpu.memory_space<hbm>>
      %dma_start3A_150 = tpu.memref_squeeze %dma_start3A_149 : memref<1x640x32xf32, #tpu.memory_space<hbm>> -> memref<640x32xf32, #tpu.memory_space<hbm>>
      %dma_start3A_151 = arith.constant 0 : i32
      %dma_start3A_152 = tpu.memref_slice %arg10[%mul3A_2, %dma_start3A_151] : memref<10240x32xf32, #tpu.memory_space<vmem_shared>> -> memref<640x32xf32, #tpu.memory_space<vmem_shared>>
      tpu.enqueue_dma source(%dma_start3A_152 : memref<640x32xf32, #tpu.memory_space<vmem_shared>>) target(%dma_start3A_150 : memref<640x32xf32, #tpu.memory_space<hbm>>) target_semaphore(%run_scoped3A : memref<!tpu.dma_semaphore, #tpu.memory_space<semaphore_mem>>)
      %dma_wait3A = arith.constant 0 : i32
      %dma_wait3A_153 = tpu.memref_slice %arg6[%arg0, %mul3A_2, %dma_wait3A] : memref<2x10240x32xf32, #tpu.memory_space<hbm>> -> memref<1x640x32xf32, #tpu.memory_space<hbm>>
      %dma_wait3A_154 = tpu.memref_squeeze %dma_wait3A_153 : memref<1x640x32xf32, #tpu.memory_space<hbm>> -> memref<640x32xf32, #tpu.memory_space<hbm>>
      %dma_wait3A_155 = arith.constant 0 : i32
      %dma_wait3A_156 = tpu.memref_slice %arg10[%mul3A_2, %dma_wait3A_155] : memref<10240x32xf32, #tpu.memory_space<vmem_shared>> -> memref<640x32xf32, #tpu.memory_space<vmem_shared>>
      tpu.wait_dma2 semaphore(%run_scoped3A : memref<!tpu.dma_semaphore, #tpu.memory_space<semaphore_mem>>) src(%dma_wait3A_156 : memref<640x32xf32, #tpu.memory_space<vmem_shared>>) dst(%dma_wait3A_154 : memref<640x32xf32, #tpu.memory_space<hbm>>)
      tpu.yield
    }) : () -> ()
    return
  }
}

#map = affine_map<(d0, d1) -> (0, 0)>
#map1 = affine_map<(d0, d1) -> (0, 0, 0)>
module attributes {stable_mosaic.version = 14 : i64} {
  func.func @_spmm_kernel(%arg0: i32, %arg1: i32, %arg2: memref<1250x256xi32, #tpu.memory_space<hbm>>, %arg3: memref<1250x256xi32, #tpu.memory_space<hbm>>, %arg4: memref<10240x32xf32, #tpu.memory_space<hbm>>, %arg5: memref<10240x32xf32, #tpu.memory_space<hbm>>, %arg6: memref<2x10240x32xf32, #tpu.memory_space<hbm>>, %arg7: memref<40x256xi32, #tpu.memory_space<vmem>>, %arg8: memref<40x256xi32, #tpu.memory_space<vmem>>, %arg9: memref<8x256x32xf32, #tpu.memory_space<vmem>>, %arg10: memref<10240x32xf32, #tpu.memory_space<vmem_shared>>, %arg11: memref<8x!tpu.dma_semaphore, #tpu.memory_space<semaphore_mem>>) attributes {dimension_semantics = [#tpu.dimension_semantics<core_parallel>, #tpu.dimension_semantics<subcore_parallel>], iteration_bounds = array<i64: 2, 16>, scalar_prefetch = 0 : i64, scratch_operands = 5 : i64, tpu.core_type = #tpu.core_type<sc_vector_subcore>, window_params = [{transform_indices = #map}, {transform_indices = #map}, {transform_indices = #map}, {transform_indices = #map}, {transform_indices = #map1}]} {
    %mul3A = arith.constant 16 : i32
    %mul3A_0 = arith.muli %arg0, %mul3A : i32
    %add3A = arith.addi %mul3A_0, %arg1 : i32
    %mul3A_1 = arith.constant 640 : i32
    %mul3A_2 = arith.muli %arg1, %mul3A_1 : i32
    %min3A = arith.constant 2 : i32
    %min3A_3 = arith.minsi %add3A, %min3A : i32
    %mul3A_4 = arith.constant 39 : i32
    %mul3A_5 = arith.muli %add3A, %mul3A_4 : i32
    %add3A_6 = arith.addi %mul3A_5, %min3A_3 : i32
    %lt3A = arith.constant 2 : i32
    %lt3A_7 = arith.cmpi slt, %add3A, %lt3A : i32
    %convert_element_type3A = arith.extui %lt3A_7 : i1 to i32
    %add3A_8 = arith.constant 39 : i32
    %add3A_9 = arith.addi %add3A_8, %convert_element_type3A : i32
    "tpu.region"() ({
      %run_scoped3A = tpu.sem_alloc : memref<!tpu.dma_semaphore, #tpu.memory_space<semaphore_mem>>
      %dma_start3A_148 = arith.constant 0 : i32
      %dma_start3A_149 = tpu.memref_slice %arg10[%mul3A_2, %dma_start3A_148] : memref<10240x32xf32, #tpu.memory_space<vmem_shared>> -> memref<640x32xf32, #tpu.memory_space<vmem_shared>>
      %dma_start3A_150 = arith.constant 0 : i32
      %dma_start3A_151 = tpu.memref_slice %arg5[%mul3A_2, %dma_start3A_150] : memref<10240x32xf32, #tpu.memory_space<hbm>> -> memref<640x32xf32, #tpu.memory_space<hbm>>
      tpu.enqueue_dma source(%dma_start3A_151 : memref<640x32xf32, #tpu.memory_space<hbm>>) target(%dma_start3A_149 : memref<640x32xf32, #tpu.memory_space<vmem_shared>>) target_semaphore(%run_scoped3A : memref<!tpu.dma_semaphore, #tpu.memory_space<semaphore_mem>>)
      %dma_wait3A = arith.constant 0 : i32
      %dma_wait3A_152 = tpu.memref_slice %arg10[%mul3A_2, %dma_wait3A] : memref<10240x32xf32, #tpu.memory_space<vmem_shared>> -> memref<640x32xf32, #tpu.memory_space<vmem_shared>>
      %dma_wait3A_153 = arith.constant 0 : i32
      %dma_wait3A_154 = tpu.memref_slice %arg5[%mul3A_2, %dma_wait3A_153] : memref<10240x32xf32, #tpu.memory_space<hbm>> -> memref<640x32xf32, #tpu.memory_space<hbm>>
      tpu.wait_dma2 semaphore(%run_scoped3A : memref<!tpu.dma_semaphore, #tpu.memory_space<semaphore_mem>>) src(%dma_wait3A_154 : memref<640x32xf32, #tpu.memory_space<hbm>>) dst(%dma_wait3A_152 : memref<640x32xf32, #tpu.memory_space<vmem_shared>>)
      tpu.yield
    }) : () -> ()
    "tpu.region"() ({
      %run_scoped3A = tpu.sem_alloc : memref<!tpu.dma_semaphore, #tpu.memory_space<semaphore_mem>>
      %dma_start3A_148 = arith.constant 0 : i32
      %dma_start3A_149 = arith.constant 0 : i32
      %dma_start3A_150 = tpu.memref_slice %arg7[%dma_start3A_148, %dma_start3A_149] : memref<40x256xi32, #tpu.memory_space<vmem>> -> memref<39x256xi32, #tpu.memory_space<vmem>>
      %dma_start3A_151 = arith.constant 0 : i32
      %dma_start3A_152 = tpu.memref_slice %arg2[%add3A_6, %dma_start3A_151] : memref<1250x256xi32, #tpu.memory_space<hbm>> -> memref<39x256xi32, #tpu.memory_space<hbm>>
      %dma_start3A_153 = arith.constant 0 : i32
      %dma_start3A_154 = arith.constant 0 : i32
      %dma_start3A_155 = tpu.memref_slice %arg7[%dma_start3A_153, %dma_start3A_154] : memref<40x256xi32, #tpu.memory_space<vmem>> -> memref<39x256xi32, #tpu.memory_space<vmem>>
      %dma_start3A_156 = arith.constant 0 : i32
      %dma_start3A_157 = tpu.memref_slice %arg2[%add3A_6, %dma_start3A_156] : memref<1250x256xi32, #tpu.memory_space<hbm>> -> memref<39x256xi32, #tpu.memory_space<hbm>>
      tpu.enqueue_dma source(%dma_start3A_157 : memref<39x256xi32, #tpu.memory_space<hbm>>) target(%dma_start3A_155 : memref<39x256xi32, #tpu.memory_space<vmem>>) target_semaphore(%run_scoped3A : memref<!tpu.dma_semaphore, #tpu.memory_space<semaphore_mem>>)
      %dma_wait3A = arith.constant 0 : i32
      %dma_wait3A_158 = arith.constant 0 : i32
      %dma_wait3A_159 = tpu.memref_slice %arg7[%dma_wait3A, %dma_wait3A_158] : memref<40x256xi32, #tpu.memory_space<vmem>> -> memref<39x256xi32, #tpu.memory_space<vmem>>
      %dma_wait3A_160 = arith.constant 0 : i32
      %dma_wait3A_161 = tpu.memref_slice %arg2[%add3A_6, %dma_wait3A_160] : memref<1250x256xi32, #tpu.memory_space<hbm>> -> memref<39x256xi32, #tpu.memory_space<hbm>>
      %dma_wait3A_162 = arith.constant 0 : i32
      %dma_wait3A_163 = arith.constant 0 : i32
      %dma_wait3A_164 = tpu.memref_slice %arg7[%dma_wait3A_162, %dma_wait3A_163] : memref<40x256xi32, #tpu.memory_space<vmem>> -> memref<39x256xi32, #tpu.memory_space<vmem>>
      %dma_wait3A_165 = arith.constant 0 : i32
      %dma_wait3A_166 = tpu.memref_slice %arg2[%add3A_6, %dma_wait3A_165] : memref<1250x256xi32, #tpu.memory_space<hbm>> -> memref<39x256xi32, #tpu.memory_space<hbm>>
      tpu.wait_dma2 semaphore(%run_scoped3A : memref<!tpu.dma_semaphore, #tpu.memory_space<semaphore_mem>>) src(%dma_wait3A_166 : memref<39x256xi32, #tpu.memory_space<hbm>>) dst(%dma_wait3A_164 : memref<39x256xi32, #tpu.memory_space<vmem>>)
      tpu.yield
    }) : () -> ()
    %lt3A_10 = arith.constant 2 : i32
    %lt3A_11 = arith.cmpi slt, %add3A, %lt3A_10 : i32
    %convert_element_type3A_12 = arith.extui %lt3A_11 : i1 to i32
    %cond3A = arith.constant 0 : i32
    %cond3A_13 = arith.cmpi ne, %convert_element_type3A_12, %cond3A : i32
    scf.if %cond3A_13 {
      %add3A_148 = arith.constant 39 : i32
      %add3A_149 = arith.addi %add3A_6, %add3A_148 : i32
      "tpu.region"() ({
        %run_scoped3A = tpu.sem_alloc : memref<!tpu.dma_semaphore, #tpu.memory_space<semaphore_mem>>
        %dma_start3A_150 = arith.constant 39 : i32
        %dma_start3A_151 = arith.constant 0 : i32
        %dma_start3A_152 = tpu.memref_slice %arg7[%dma_start3A_150, %dma_start3A_151] : memref<40x256xi32, #tpu.memory_space<vmem>> -> memref<1x256xi32, #tpu.memory_space<vmem>>
        %dma_start3A_153 = arith.constant 0 : i32
        %dma_start3A_154 = tpu.memref_slice %arg2[%add3A_149, %dma_start3A_153] : memref<1250x256xi32, #tpu.memory_space<hbm>> -> memref<1x256xi32, #tpu.memory_space<hbm>>
        %dma_start3A_155 = arith.constant 39 : i32
        %dma_start3A_156 = arith.constant 0 : i32
        %dma_start3A_157 = tpu.memref_slice %arg7[%dma_start3A_155, %dma_start3A_156] : memref<40x256xi32, #tpu.memory_space<vmem>> -> memref<1x256xi32, #tpu.memory_space<vmem>>
        %dma_start3A_158 = arith.constant 0 : i32
        %dma_start3A_159 = tpu.memref_slice %arg2[%add3A_149, %dma_start3A_158] : memref<1250x256xi32, #tpu.memory_space<hbm>> -> memref<1x256xi32, #tpu.memory_space<hbm>>
        tpu.enqueue_dma source(%dma_start3A_159 : memref<1x256xi32, #tpu.memory_space<hbm>>) target(%dma_start3A_157 : memref<1x256xi32, #tpu.memory_space<vmem>>) target_semaphore(%run_scoped3A : memref<!tpu.dma_semaphore, #tpu.memory_space<semaphore_mem>>)
        %dma_wait3A = arith.constant 39 : i32
        %dma_wait3A_160 = arith.constant 0 : i32
        %dma_wait3A_161 = tpu.memref_slice %arg7[%dma_wait3A, %dma_wait3A_160] : memref<40x256xi32, #tpu.memory_space<vmem>> -> memref<1x256xi32, #tpu.memory_space<vmem>>
        %dma_wait3A_162 = arith.constant 0 : i32
        %dma_wait3A_163 = tpu.memref_slice %arg2[%add3A_149, %dma_wait3A_162] : memref<1250x256xi32, #tpu.memory_space<hbm>> -> memref<1x256xi32, #tpu.memory_space<hbm>>
        %dma_wait3A_164 = arith.constant 39 : i32
        %dma_wait3A_165 = arith.constant 0 : i32
        %dma_wait3A_166 = tpu.memref_slice %arg7[%dma_wait3A_164, %dma_wait3A_165] : memref<40x256xi32, #tpu.memory_space<vmem>> -> memref<1x256xi32, #tpu.memory_space<vmem>>
        %dma_wait3A_167 = arith.constant 0 : i32
        %dma_wait3A_168 = tpu.memref_slice %arg2[%add3A_149, %dma_wait3A_167] : memref<1250x256xi32, #tpu.memory_space<hbm>> -> memref<1x256xi32, #tpu.memory_space<hbm>>
        tpu.wait_dma2 semaphore(%run_scoped3A : memref<!tpu.dma_semaphore, #tpu.memory_space<semaphore_mem>>) src(%dma_wait3A_168 : memref<1x256xi32, #tpu.memory_space<hbm>>) dst(%dma_wait3A_166 : memref<1x256xi32, #tpu.memory_space<vmem>>)
        tpu.yield
      }) : () -> ()
    } else {
    }
    "tpu.region"() ({
      %run_scoped3A = tpu.sem_alloc : memref<!tpu.dma_semaphore, #tpu.memory_space<semaphore_mem>>
      %dma_start3A_148 = arith.constant 0 : i32
      %dma_start3A_149 = arith.constant 0 : i32
      %dma_start3A_150 = tpu.memref_slice %arg8[%dma_start3A_148, %dma_start3A_149] : memref<40x256xi32, #tpu.memory_space<vmem>> -> memref<39x256xi32, #tpu.memory_space<vmem>>
      %dma_start3A_151 = arith.constant 0 : i32
      %dma_start3A_152 = tpu.memref_slice %arg3[%add3A_6, %dma_start3A_151] : memref<1250x256xi32, #tpu.memory_space<hbm>> -> memref<39x256xi32, #tpu.memory_space<hbm>>
      %dma_start3A_153 = arith.constant 0 : i32
      %dma_start3A_154 = arith.constant 0 : i32
      %dma_start3A_155 = tpu.memref_slice %arg8[%dma_start3A_153, %dma_start3A_154] : memref<40x256xi32, #tpu.memory_space<vmem>> -> memref<39x256xi32, #tpu.memory_space<vmem>>
      %dma_start3A_156 = arith.constant 0 : i32
      %dma_start3A_157 = tpu.memref_slice %arg3[%add3A_6, %dma_start3A_156] : memref<1250x256xi32, #tpu.memory_space<hbm>> -> memref<39x256xi32, #tpu.memory_space<hbm>>
      tpu.enqueue_dma source(%dma_start3A_157 : memref<39x256xi32, #tpu.memory_space<hbm>>) target(%dma_start3A_155 : memref<39x256xi32, #tpu.memory_space<vmem>>) target_semaphore(%run_scoped3A : memref<!tpu.dma_semaphore, #tpu.memory_space<semaphore_mem>>)
      %dma_wait3A = arith.constant 0 : i32
      %dma_wait3A_158 = arith.constant 0 : i32
      %dma_wait3A_159 = tpu.memref_slice %arg8[%dma_wait3A, %dma_wait3A_158] : memref<40x256xi32, #tpu.memory_space<vmem>> -> memref<39x256xi32, #tpu.memory_space<vmem>>
      %dma_wait3A_160 = arith.constant 0 : i32
      %dma_wait3A_161 = tpu.memref_slice %arg3[%add3A_6, %dma_wait3A_160] : memref<1250x256xi32, #tpu.memory_space<hbm>> -> memref<39x256xi32, #tpu.memory_space<hbm>>
      %dma_wait3A_162 = arith.constant 0 : i32
      %dma_wait3A_163 = arith.constant 0 : i32
      %dma_wait3A_164 = tpu.memref_slice %arg8[%dma_wait3A_162, %dma_wait3A_163] : memref<40x256xi32, #tpu.memory_space<vmem>> -> memref<39x256xi32, #tpu.memory_space<vmem>>
      %dma_wait3A_165 = arith.constant 0 : i32
      %dma_wait3A_166 = tpu.memref_slice %arg3[%add3A_6, %dma_wait3A_165] : memref<1250x256xi32, #tpu.memory_space<hbm>> -> memref<39x256xi32, #tpu.memory_space<hbm>>
      tpu.wait_dma2 semaphore(%run_scoped3A : memref<!tpu.dma_semaphore, #tpu.memory_space<semaphore_mem>>) src(%dma_wait3A_166 : memref<39x256xi32, #tpu.memory_space<hbm>>) dst(%dma_wait3A_164 : memref<39x256xi32, #tpu.memory_space<vmem>>)
      tpu.yield
    }) : () -> ()
    %lt3A_14 = arith.constant 2 : i32
    %lt3A_15 = arith.cmpi slt, %add3A, %lt3A_14 : i32
    %convert_element_type3A_16 = arith.extui %lt3A_15 : i1 to i32
    %cond3A_17 = arith.constant 0 : i32
    %cond3A_18 = arith.cmpi ne, %convert_element_type3A_16, %cond3A_17 : i32
    scf.if %cond3A_18 {
      %add3A_148 = arith.constant 39 : i32
      %add3A_149 = arith.addi %add3A_6, %add3A_148 : i32
      "tpu.region"() ({
        %run_scoped3A = tpu.sem_alloc : memref<!tpu.dma_semaphore, #tpu.memory_space<semaphore_mem>>
        %dma_start3A_150 = arith.constant 39 : i32
        %dma_start3A_151 = arith.constant 0 : i32
        %dma_start3A_152 = tpu.memref_slice %arg8[%dma_start3A_150, %dma_start3A_151] : memref<40x256xi32, #tpu.memory_space<vmem>> -> memref<1x256xi32, #tpu.memory_space<vmem>>
        %dma_start3A_153 = arith.constant 0 : i32
        %dma_start3A_154 = tpu.memref_slice %arg3[%add3A_149, %dma_start3A_153] : memref<1250x256xi32, #tpu.memory_space<hbm>> -> memref<1x256xi32, #tpu.memory_space<hbm>>
        %dma_start3A_155 = arith.constant 39 : i32
        %dma_start3A_156 = arith.constant 0 : i32
        %dma_start3A_157 = tpu.memref_slice %arg8[%dma_start3A_155, %dma_start3A_156] : memref<40x256xi32, #tpu.memory_space<vmem>> -> memref<1x256xi32, #tpu.memory_space<vmem>>
        %dma_start3A_158 = arith.constant 0 : i32
        %dma_start3A_159 = tpu.memref_slice %arg3[%add3A_149, %dma_start3A_158] : memref<1250x256xi32, #tpu.memory_space<hbm>> -> memref<1x256xi32, #tpu.memory_space<hbm>>
        tpu.enqueue_dma source(%dma_start3A_159 : memref<1x256xi32, #tpu.memory_space<hbm>>) target(%dma_start3A_157 : memref<1x256xi32, #tpu.memory_space<vmem>>) target_semaphore(%run_scoped3A : memref<!tpu.dma_semaphore, #tpu.memory_space<semaphore_mem>>)
        %dma_wait3A = arith.constant 39 : i32
        %dma_wait3A_160 = arith.constant 0 : i32
        %dma_wait3A_161 = tpu.memref_slice %arg8[%dma_wait3A, %dma_wait3A_160] : memref<40x256xi32, #tpu.memory_space<vmem>> -> memref<1x256xi32, #tpu.memory_space<vmem>>
        %dma_wait3A_162 = arith.constant 0 : i32
        %dma_wait3A_163 = tpu.memref_slice %arg3[%add3A_149, %dma_wait3A_162] : memref<1250x256xi32, #tpu.memory_space<hbm>> -> memref<1x256xi32, #tpu.memory_space<hbm>>
        %dma_wait3A_164 = arith.constant 39 : i32
        %dma_wait3A_165 = arith.constant 0 : i32
        %dma_wait3A_166 = tpu.memref_slice %arg8[%dma_wait3A_164, %dma_wait3A_165] : memref<40x256xi32, #tpu.memory_space<vmem>> -> memref<1x256xi32, #tpu.memory_space<vmem>>
        %dma_wait3A_167 = arith.constant 0 : i32
        %dma_wait3A_168 = tpu.memref_slice %arg3[%add3A_149, %dma_wait3A_167] : memref<1250x256xi32, #tpu.memory_space<hbm>> -> memref<1x256xi32, #tpu.memory_space<hbm>>
        tpu.wait_dma2 semaphore(%run_scoped3A : memref<!tpu.dma_semaphore, #tpu.memory_space<semaphore_mem>>) src(%dma_wait3A_168 : memref<1x256xi32, #tpu.memory_space<hbm>>) dst(%dma_wait3A_166 : memref<1x256xi32, #tpu.memory_space<vmem>>)
        tpu.yield
      }) : () -> ()
    } else {
    }
    %barrier3A = arith.constant 0 : index
    tpu.barrier barrier_id(%barrier3A)
    %dma_start3A = arith.constant 0 : i32
    %dma_start3A_19 = arith.constant 0 : i32
    %dma_start3A_20 = arith.constant 0 : i32
    %dma_start3A_21 = arith.constant 0 : i32
    %dma_start3A_22 = arith.constant 0 : i32
    %dma_start3A_23 = tpu.memref_slice %arg9[%dma_start3A_19, %dma_start3A_21, %dma_start3A_22] : memref<8x256x32xf32, #tpu.memory_space<vmem>> -> memref<1x256x32xf32, #tpu.memory_space<vmem>>
    %dma_start3A_24 = tpu.memref_squeeze %dma_start3A_23 : memref<1x256x32xf32, #tpu.memory_space<vmem>> -> memref<256x32xf32, #tpu.memory_space<vmem>>
    %dma_start3A_25 = arith.constant 0 : i32
    %dma_start3A_26 = tpu.memref_slice %arg7[%dma_start3A, %dma_start3A_25] : memref<40x256xi32, #tpu.memory_space<vmem>> -> memref<1x256xi32, #tpu.memory_space<vmem>>
    %dma_start3A_27 = tpu.memref_squeeze %dma_start3A_26 : memref<1x256xi32, #tpu.memory_space<vmem>> -> memref<256xi32, #tpu.memory_space<vmem>>
    %dma_start3A_28 = arith.constant 0 : i32
    %dma_start3A_29 = arith.constant 0 : i32
    %dma_start3A_30 = tpu.memref_slice %arg4[%dma_start3A_28, %dma_start3A_29] : memref<10240x32xf32, #tpu.memory_space<hbm>> -> memref<10240x32xf32, #tpu.memory_space<hbm>>
    %dma_start3A_31 = tpu.memref_slice %arg11[%dma_start3A_20] : memref<8x!tpu.dma_semaphore, #tpu.memory_space<semaphore_mem>> -> memref<1x!tpu.dma_semaphore, #tpu.memory_space<semaphore_mem>>
    %dma_start3A_32 = tpu.memref_squeeze %dma_start3A_31 : memref<1x!tpu.dma_semaphore, #tpu.memory_space<semaphore_mem>> -> memref<!tpu.dma_semaphore, #tpu.memory_space<semaphore_mem>>
    tpu.enqueue_indirect_dma source(%dma_start3A_30 : memref<10240x32xf32, #tpu.memory_space<hbm>>) target(%dma_start3A_24 : memref<256x32xf32, #tpu.memory_space<vmem>>) offsets(%dma_start3A_27 : memref<256xi32, #tpu.memory_space<vmem>>) semaphore(%dma_start3A_32 : memref<!tpu.dma_semaphore, #tpu.memory_space<semaphore_mem>>)
    %dma_start3A_33 = arith.constant 1 : i32
    %dma_start3A_34 = arith.constant 1 : i32
    %dma_start3A_35 = arith.constant 1 : i32
    %dma_start3A_36 = arith.constant 0 : i32
    %dma_start3A_37 = arith.constant 0 : i32
    %dma_start3A_38 = tpu.memref_slice %arg9[%dma_start3A_34, %dma_start3A_36, %dma_start3A_37] : memref<8x256x32xf32, #tpu.memory_space<vmem>> -> memref<1x256x32xf32, #tpu.memory_space<vmem>>
    %dma_start3A_39 = tpu.memref_squeeze %dma_start3A_38 : memref<1x256x32xf32, #tpu.memory_space<vmem>> -> memref<256x32xf32, #tpu.memory_space<vmem>>
    %dma_start3A_40 = arith.constant 0 : i32
    %dma_start3A_41 = tpu.memref_slice %arg7[%dma_start3A_33, %dma_start3A_40] : memref<40x256xi32, #tpu.memory_space<vmem>> -> memref<1x256xi32, #tpu.memory_space<vmem>>
    %dma_start3A_42 = tpu.memref_squeeze %dma_start3A_41 : memref<1x256xi32, #tpu.memory_space<vmem>> -> memref<256xi32, #tpu.memory_space<vmem>>
    %dma_start3A_43 = arith.constant 0 : i32
    %dma_start3A_44 = arith.constant 0 : i32
    %dma_start3A_45 = tpu.memref_slice %arg4[%dma_start3A_43, %dma_start3A_44] : memref<10240x32xf32, #tpu.memory_space<hbm>> -> memref<10240x32xf32, #tpu.memory_space<hbm>>
    %dma_start3A_46 = tpu.memref_slice %arg11[%dma_start3A_35] : memref<8x!tpu.dma_semaphore, #tpu.memory_space<semaphore_mem>> -> memref<1x!tpu.dma_semaphore, #tpu.memory_space<semaphore_mem>>
    %dma_start3A_47 = tpu.memref_squeeze %dma_start3A_46 : memref<1x!tpu.dma_semaphore, #tpu.memory_space<semaphore_mem>> -> memref<!tpu.dma_semaphore, #tpu.memory_space<semaphore_mem>>
    tpu.enqueue_indirect_dma source(%dma_start3A_45 : memref<10240x32xf32, #tpu.memory_space<hbm>>) target(%dma_start3A_39 : memref<256x32xf32, #tpu.memory_space<vmem>>) offsets(%dma_start3A_42 : memref<256xi32, #tpu.memory_space<vmem>>) semaphore(%dma_start3A_47 : memref<!tpu.dma_semaphore, #tpu.memory_space<semaphore_mem>>)
    %dma_start3A_48 = arith.constant 2 : i32
    %dma_start3A_49 = arith.constant 2 : i32
    %dma_start3A_50 = arith.constant 2 : i32
    %dma_start3A_51 = arith.constant 0 : i32
    %dma_start3A_52 = arith.constant 0 : i32
    %dma_start3A_53 = tpu.memref_slice %arg9[%dma_start3A_49, %dma_start3A_51, %dma_start3A_52] : memref<8x256x32xf32, #tpu.memory_space<vmem>> -> memref<1x256x32xf32, #tpu.memory_space<vmem>>
    %dma_start3A_54 = tpu.memref_squeeze %dma_start3A_53 : memref<1x256x32xf32, #tpu.memory_space<vmem>> -> memref<256x32xf32, #tpu.memory_space<vmem>>
    %dma_start3A_55 = arith.constant 0 : i32
    %dma_start3A_56 = tpu.memref_slice %arg7[%dma_start3A_48, %dma_start3A_55] : memref<40x256xi32, #tpu.memory_space<vmem>> -> memref<1x256xi32, #tpu.memory_space<vmem>>
    %dma_start3A_57 = tpu.memref_squeeze %dma_start3A_56 : memref<1x256xi32, #tpu.memory_space<vmem>> -> memref<256xi32, #tpu.memory_space<vmem>>
    %dma_start3A_58 = arith.constant 0 : i32
    %dma_start3A_59 = arith.constant 0 : i32
    %dma_start3A_60 = tpu.memref_slice %arg4[%dma_start3A_58, %dma_start3A_59] : memref<10240x32xf32, #tpu.memory_space<hbm>> -> memref<10240x32xf32, #tpu.memory_space<hbm>>
    %dma_start3A_61 = tpu.memref_slice %arg11[%dma_start3A_50] : memref<8x!tpu.dma_semaphore, #tpu.memory_space<semaphore_mem>> -> memref<1x!tpu.dma_semaphore, #tpu.memory_space<semaphore_mem>>
    %dma_start3A_62 = tpu.memref_squeeze %dma_start3A_61 : memref<1x!tpu.dma_semaphore, #tpu.memory_space<semaphore_mem>> -> memref<!tpu.dma_semaphore, #tpu.memory_space<semaphore_mem>>
    tpu.enqueue_indirect_dma source(%dma_start3A_60 : memref<10240x32xf32, #tpu.memory_space<hbm>>) target(%dma_start3A_54 : memref<256x32xf32, #tpu.memory_space<vmem>>) offsets(%dma_start3A_57 : memref<256xi32, #tpu.memory_space<vmem>>) semaphore(%dma_start3A_62 : memref<!tpu.dma_semaphore, #tpu.memory_space<semaphore_mem>>)
    %dma_start3A_63 = arith.constant 3 : i32
    %dma_start3A_64 = arith.constant 3 : i32
    %dma_start3A_65 = arith.constant 3 : i32
    %dma_start3A_66 = arith.constant 0 : i32
    %dma_start3A_67 = arith.constant 0 : i32
    %dma_start3A_68 = tpu.memref_slice %arg9[%dma_start3A_64, %dma_start3A_66, %dma_start3A_67] : memref<8x256x32xf32, #tpu.memory_space<vmem>> -> memref<1x256x32xf32, #tpu.memory_space<vmem>>
    %dma_start3A_69 = tpu.memref_squeeze %dma_start3A_68 : memref<1x256x32xf32, #tpu.memory_space<vmem>> -> memref<256x32xf32, #tpu.memory_space<vmem>>
    %dma_start3A_70 = arith.constant 0 : i32
    %dma_start3A_71 = tpu.memref_slice %arg7[%dma_start3A_63, %dma_start3A_70] : memref<40x256xi32, #tpu.memory_space<vmem>> -> memref<1x256xi32, #tpu.memory_space<vmem>>
    %dma_start3A_72 = tpu.memref_squeeze %dma_start3A_71 : memref<1x256xi32, #tpu.memory_space<vmem>> -> memref<256xi32, #tpu.memory_space<vmem>>
    %dma_start3A_73 = arith.constant 0 : i32
    %dma_start3A_74 = arith.constant 0 : i32
    %dma_start3A_75 = tpu.memref_slice %arg4[%dma_start3A_73, %dma_start3A_74] : memref<10240x32xf32, #tpu.memory_space<hbm>> -> memref<10240x32xf32, #tpu.memory_space<hbm>>
    %dma_start3A_76 = tpu.memref_slice %arg11[%dma_start3A_65] : memref<8x!tpu.dma_semaphore, #tpu.memory_space<semaphore_mem>> -> memref<1x!tpu.dma_semaphore, #tpu.memory_space<semaphore_mem>>
    %dma_start3A_77 = tpu.memref_squeeze %dma_start3A_76 : memref<1x!tpu.dma_semaphore, #tpu.memory_space<semaphore_mem>> -> memref<!tpu.dma_semaphore, #tpu.memory_space<semaphore_mem>>
    tpu.enqueue_indirect_dma source(%dma_start3A_75 : memref<10240x32xf32, #tpu.memory_space<hbm>>) target(%dma_start3A_69 : memref<256x32xf32, #tpu.memory_space<vmem>>) offsets(%dma_start3A_72 : memref<256xi32, #tpu.memory_space<vmem>>) semaphore(%dma_start3A_77 : memref<!tpu.dma_semaphore, #tpu.memory_space<semaphore_mem>>)
    %dma_start3A_78 = arith.constant 4 : i32
    %dma_start3A_79 = arith.constant 4 : i32
    %dma_start3A_80 = arith.constant 4 : i32
    %dma_start3A_81 = arith.constant 0 : i32
    %dma_start3A_82 = arith.constant 0 : i32
    %dma_start3A_83 = tpu.memref_slice %arg9[%dma_start3A_79, %dma_start3A_81, %dma_start3A_82] : memref<8x256x32xf32, #tpu.memory_space<vmem>> -> memref<1x256x32xf32, #tpu.memory_space<vmem>>
    %dma_start3A_84 = tpu.memref_squeeze %dma_start3A_83 : memref<1x256x32xf32, #tpu.memory_space<vmem>> -> memref<256x32xf32, #tpu.memory_space<vmem>>
    %dma_start3A_85 = arith.constant 0 : i32
    %dma_start3A_86 = tpu.memref_slice %arg7[%dma_start3A_78, %dma_start3A_85] : memref<40x256xi32, #tpu.memory_space<vmem>> -> memref<1x256xi32, #tpu.memory_space<vmem>>
    %dma_start3A_87 = tpu.memref_squeeze %dma_start3A_86 : memref<1x256xi32, #tpu.memory_space<vmem>> -> memref<256xi32, #tpu.memory_space<vmem>>
    %dma_start3A_88 = arith.constant 0 : i32
    %dma_start3A_89 = arith.constant 0 : i32
    %dma_start3A_90 = tpu.memref_slice %arg4[%dma_start3A_88, %dma_start3A_89] : memref<10240x32xf32, #tpu.memory_space<hbm>> -> memref<10240x32xf32, #tpu.memory_space<hbm>>
    %dma_start3A_91 = tpu.memref_slice %arg11[%dma_start3A_80] : memref<8x!tpu.dma_semaphore, #tpu.memory_space<semaphore_mem>> -> memref<1x!tpu.dma_semaphore, #tpu.memory_space<semaphore_mem>>
    %dma_start3A_92 = tpu.memref_squeeze %dma_start3A_91 : memref<1x!tpu.dma_semaphore, #tpu.memory_space<semaphore_mem>> -> memref<!tpu.dma_semaphore, #tpu.memory_space<semaphore_mem>>
    tpu.enqueue_indirect_dma source(%dma_start3A_90 : memref<10240x32xf32, #tpu.memory_space<hbm>>) target(%dma_start3A_84 : memref<256x32xf32, #tpu.memory_space<vmem>>) offsets(%dma_start3A_87 : memref<256xi32, #tpu.memory_space<vmem>>) semaphore(%dma_start3A_92 : memref<!tpu.dma_semaphore, #tpu.memory_space<semaphore_mem>>)
    %dma_start3A_93 = arith.constant 5 : i32
    %dma_start3A_94 = arith.constant 5 : i32
    %dma_start3A_95 = arith.constant 5 : i32
    %dma_start3A_96 = arith.constant 0 : i32
    %dma_start3A_97 = arith.constant 0 : i32
    %dma_start3A_98 = tpu.memref_slice %arg9[%dma_start3A_94, %dma_start3A_96, %dma_start3A_97] : memref<8x256x32xf32, #tpu.memory_space<vmem>> -> memref<1x256x32xf32, #tpu.memory_space<vmem>>
    %dma_start3A_99 = tpu.memref_squeeze %dma_start3A_98 : memref<1x256x32xf32, #tpu.memory_space<vmem>> -> memref<256x32xf32, #tpu.memory_space<vmem>>
    %dma_start3A_100 = arith.constant 0 : i32
    %dma_start3A_101 = tpu.memref_slice %arg7[%dma_start3A_93, %dma_start3A_100] : memref<40x256xi32, #tpu.memory_space<vmem>> -> memref<1x256xi32, #tpu.memory_space<vmem>>
    %dma_start3A_102 = tpu.memref_squeeze %dma_start3A_101 : memref<1x256xi32, #tpu.memory_space<vmem>> -> memref<256xi32, #tpu.memory_space<vmem>>
    %dma_start3A_103 = arith.constant 0 : i32
    %dma_start3A_104 = arith.constant 0 : i32
    %dma_start3A_105 = tpu.memref_slice %arg4[%dma_start3A_103, %dma_start3A_104] : memref<10240x32xf32, #tpu.memory_space<hbm>> -> memref<10240x32xf32, #tpu.memory_space<hbm>>
    %dma_start3A_106 = tpu.memref_slice %arg11[%dma_start3A_95] : memref<8x!tpu.dma_semaphore, #tpu.memory_space<semaphore_mem>> -> memref<1x!tpu.dma_semaphore, #tpu.memory_space<semaphore_mem>>
    %dma_start3A_107 = tpu.memref_squeeze %dma_start3A_106 : memref<1x!tpu.dma_semaphore, #tpu.memory_space<semaphore_mem>> -> memref<!tpu.dma_semaphore, #tpu.memory_space<semaphore_mem>>
    tpu.enqueue_indirect_dma source(%dma_start3A_105 : memref<10240x32xf32, #tpu.memory_space<hbm>>) target(%dma_start3A_99 : memref<256x32xf32, #tpu.memory_space<vmem>>) offsets(%dma_start3A_102 : memref<256xi32, #tpu.memory_space<vmem>>) semaphore(%dma_start3A_107 : memref<!tpu.dma_semaphore, #tpu.memory_space<semaphore_mem>>)
    %dma_start3A_108 = arith.constant 6 : i32
    %dma_start3A_109 = arith.constant 6 : i32
    %dma_start3A_110 = arith.constant 6 : i32
    %dma_start3A_111 = arith.constant 0 : i32
    %dma_start3A_112 = arith.constant 0 : i32
    %dma_start3A_113 = tpu.memref_slice %arg9[%dma_start3A_109, %dma_start3A_111, %dma_start3A_112] : memref<8x256x32xf32, #tpu.memory_space<vmem>> -> memref<1x256x32xf32, #tpu.memory_space<vmem>>
    %dma_start3A_114 = tpu.memref_squeeze %dma_start3A_113 : memref<1x256x32xf32, #tpu.memory_space<vmem>> -> memref<256x32xf32, #tpu.memory_space<vmem>>
    %dma_start3A_115 = arith.constant 0 : i32
    %dma_start3A_116 = tpu.memref_slice %arg7[%dma_start3A_108, %dma_start3A_115] : memref<40x256xi32, #tpu.memory_space<vmem>> -> memref<1x256xi32, #tpu.memory_space<vmem>>
    %dma_start3A_117 = tpu.memref_squeeze %dma_start3A_116 : memref<1x256xi32, #tpu.memory_space<vmem>> -> memref<256xi32, #tpu.memory_space<vmem>>
    %dma_start3A_118 = arith.constant 0 : i32
    %dma_start3A_119 = arith.constant 0 : i32
    %dma_start3A_120 = tpu.memref_slice %arg4[%dma_start3A_118, %dma_start3A_119] : memref<10240x32xf32, #tpu.memory_space<hbm>> -> memref<10240x32xf32, #tpu.memory_space<hbm>>
    %dma_start3A_121 = tpu.memref_slice %arg11[%dma_start3A_110] : memref<8x!tpu.dma_semaphore, #tpu.memory_space<semaphore_mem>> -> memref<1x!tpu.dma_semaphore, #tpu.memory_space<semaphore_mem>>
    %dma_start3A_122 = tpu.memref_squeeze %dma_start3A_121 : memref<1x!tpu.dma_semaphore, #tpu.memory_space<semaphore_mem>> -> memref<!tpu.dma_semaphore, #tpu.memory_space<semaphore_mem>>
    tpu.enqueue_indirect_dma source(%dma_start3A_120 : memref<10240x32xf32, #tpu.memory_space<hbm>>) target(%dma_start3A_114 : memref<256x32xf32, #tpu.memory_space<vmem>>) offsets(%dma_start3A_117 : memref<256xi32, #tpu.memory_space<vmem>>) semaphore(%dma_start3A_122 : memref<!tpu.dma_semaphore, #tpu.memory_space<semaphore_mem>>)
    %dma_start3A_123 = arith.constant 7 : i32
    %dma_start3A_124 = arith.constant 7 : i32
    %dma_start3A_125 = arith.constant 7 : i32
    %dma_start3A_126 = arith.constant 0 : i32
    %dma_start3A_127 = arith.constant 0 : i32
    %dma_start3A_128 = tpu.memref_slice %arg9[%dma_start3A_124, %dma_start3A_126, %dma_start3A_127] : memref<8x256x32xf32, #tpu.memory_space<vmem>> -> memref<1x256x32xf32, #tpu.memory_space<vmem>>
    %dma_start3A_129 = tpu.memref_squeeze %dma_start3A_128 : memref<1x256x32xf32, #tpu.memory_space<vmem>> -> memref<256x32xf32, #tpu.memory_space<vmem>>
    %dma_start3A_130 = arith.constant 0 : i32
    %dma_start3A_131 = tpu.memref_slice %arg7[%dma_start3A_123, %dma_start3A_130] : memref<40x256xi32, #tpu.memory_space<vmem>> -> memref<1x256xi32, #tpu.memory_space<vmem>>
    %dma_start3A_132 = tpu.memref_squeeze %dma_start3A_131 : memref<1x256xi32, #tpu.memory_space<vmem>> -> memref<256xi32, #tpu.memory_space<vmem>>
    %dma_start3A_133 = arith.constant 0 : i32
    %dma_start3A_134 = arith.constant 0 : i32
    %dma_start3A_135 = tpu.memref_slice %arg4[%dma_start3A_133, %dma_start3A_134] : memref<10240x32xf32, #tpu.memory_space<hbm>> -> memref<10240x32xf32, #tpu.memory_space<hbm>>
    %dma_start3A_136 = tpu.memref_slice %arg11[%dma_start3A_125] : memref<8x!tpu.dma_semaphore, #tpu.memory_space<semaphore_mem>> -> memref<1x!tpu.dma_semaphore, #tpu.memory_space<semaphore_mem>>
    %dma_start3A_137 = tpu.memref_squeeze %dma_start3A_136 : memref<1x!tpu.dma_semaphore, #tpu.memory_space<semaphore_mem>> -> memref<!tpu.dma_semaphore, #tpu.memory_space<semaphore_mem>>
    tpu.enqueue_indirect_dma source(%dma_start3A_135 : memref<10240x32xf32, #tpu.memory_space<hbm>>) target(%dma_start3A_129 : memref<256x32xf32, #tpu.memory_space<vmem>>) offsets(%dma_start3A_132 : memref<256xi32, #tpu.memory_space<vmem>>) semaphore(%dma_start3A_137 : memref<!tpu.dma_semaphore, #tpu.memory_space<semaphore_mem>>)
    %while3A = arith.constant 0 : i32
    %while3A_138 = arith.constant 0 : i32
    %while3A_139 = arith.subi %add3A_9, %while3A_138 : i32
    %while3A_140 = arith.addi %while3A_138, %while3A_139 : i32
    %while3A_141 = arith.constant 1 : i32
    %while3A_142 = arith.divsi %while3A_139, %while3A_141 : i32
    %while3A_143 = arith.muli %while3A_142, %while3A_141 : i32
    %while3A_144 = arith.addi %while3A_138, %while3A_143 : i32
    %while3A_145 = arith.constant 1 : i32
    scf.for %while3A_148 = %while3A_138 to %while3A_144 step %while3A_145  : i32 {
      %rem3A = arith.constant 8 : i32
      %rem3A_149 = arith.remsi %while3A_148, %rem3A : i32
      %dma_wait3A = arith.constant 0 : i32
      %dma_wait3A_150 = arith.constant 0 : i32
      %dma_wait3A_151 = tpu.memref_slice %arg9[%rem3A_149, %dma_wait3A, %dma_wait3A_150] : memref<8x256x32xf32, #tpu.memory_space<vmem>> -> memref<1x256x32xf32, #tpu.memory_space<vmem>>
      %dma_wait3A_152 = tpu.memref_squeeze %dma_wait3A_151 : memref<1x256x32xf32, #tpu.memory_space<vmem>> -> memref<256x32xf32, #tpu.memory_space<vmem>>
      %dma_wait3A_153 = arith.constant 0 : i32
      %dma_wait3A_154 = tpu.memref_slice %arg7[%while3A_148, %dma_wait3A_153] : memref<40x256xi32, #tpu.memory_space<vmem>> -> memref<1x256xi32, #tpu.memory_space<vmem>>
      %dma_wait3A_155 = tpu.memref_squeeze %dma_wait3A_154 : memref<1x256xi32, #tpu.memory_space<vmem>> -> memref<256xi32, #tpu.memory_space<vmem>>
      %dma_wait3A_156 = arith.constant 0 : i32
      %dma_wait3A_157 = arith.constant 0 : i32
      %dma_wait3A_158 = tpu.memref_slice %arg4[%dma_wait3A_156, %dma_wait3A_157] : memref<10240x32xf32, #tpu.memory_space<hbm>> -> memref<10240x32xf32, #tpu.memory_space<hbm>>
      %dma_wait3A_159 = tpu.memref_slice %arg11[%rem3A_149] : memref<8x!tpu.dma_semaphore, #tpu.memory_space<semaphore_mem>> -> memref<1x!tpu.dma_semaphore, #tpu.memory_space<semaphore_mem>>
      %dma_wait3A_160 = tpu.memref_squeeze %dma_wait3A_159 : memref<1x!tpu.dma_semaphore, #tpu.memory_space<semaphore_mem>> -> memref<!tpu.dma_semaphore, #tpu.memory_space<semaphore_mem>>
      tpu.wait_indirect_dma semaphore(%dma_wait3A_160 : memref<!tpu.dma_semaphore, #tpu.memory_space<semaphore_mem>>) src(%dma_wait3A_158 : memref<10240x32xf32, #tpu.memory_space<hbm>>) dst(%dma_wait3A_152 : memref<256x32xf32, #tpu.memory_space<vmem>>)
      "tpu.region"() ({
        %run_scoped3A = tpu.sem_alloc : memref<!tpu.dma_semaphore, #tpu.memory_space<semaphore_mem>>
        %dma_start3A_167 = arith.constant 0 : i32
        %dma_start3A_168 = arith.constant 0 : i32
        %dma_start3A_169 = tpu.memref_slice %arg9[%rem3A_149, %dma_start3A_167, %dma_start3A_168] : memref<8x256x32xf32, #tpu.memory_space<vmem>> -> memref<1x256x32xf32, #tpu.memory_space<vmem>>
        %dma_start3A_170 = tpu.memref_squeeze %dma_start3A_169 : memref<1x256x32xf32, #tpu.memory_space<vmem>> -> memref<256x32xf32, #tpu.memory_space<vmem>>
        %dma_start3A_171 = arith.constant 0 : i32
        %dma_start3A_172 = tpu.memref_slice %arg8[%while3A_148, %dma_start3A_171] : memref<40x256xi32, #tpu.memory_space<vmem>> -> memref<1x256xi32, #tpu.memory_space<vmem>>
        %dma_start3A_173 = tpu.memref_squeeze %dma_start3A_172 : memref<1x256xi32, #tpu.memory_space<vmem>> -> memref<256xi32, #tpu.memory_space<vmem>>
        %dma_start3A_174 = arith.constant 0 : i32
        %dma_start3A_175 = arith.constant 0 : i32
        %dma_start3A_176 = tpu.memref_slice %arg10[%dma_start3A_174, %dma_start3A_175] : memref<10240x32xf32, #tpu.memory_space<vmem_shared>> -> memref<10240x32xf32, #tpu.memory_space<vmem_shared>>
        tpu.enqueue_indirect_dma source(%dma_start3A_170 : memref<256x32xf32, #tpu.memory_space<vmem>>) target(%dma_start3A_176 : memref<10240x32xf32, #tpu.memory_space<vmem_shared>>) offsets(%dma_start3A_173 : memref<256xi32, #tpu.memory_space<vmem>>) semaphore(%run_scoped3A : memref<!tpu.dma_semaphore, #tpu.memory_space<semaphore_mem>>) {add = true}
        %dma_wait3A_177 = arith.constant 0 : i32
        %dma_wait3A_178 = arith.constant 0 : i32
        %dma_wait3A_179 = tpu.memref_slice %arg9[%rem3A_149, %dma_wait3A_177, %dma_wait3A_178] : memref<8x256x32xf32, #tpu.memory_space<vmem>> -> memref<1x256x32xf32, #tpu.memory_space<vmem>>
        %dma_wait3A_180 = tpu.memref_squeeze %dma_wait3A_179 : memref<1x256x32xf32, #tpu.memory_space<vmem>> -> memref<256x32xf32, #tpu.memory_space<vmem>>
        %dma_wait3A_181 = arith.constant 0 : i32
        %dma_wait3A_182 = tpu.memref_slice %arg8[%while3A_148, %dma_wait3A_181] : memref<40x256xi32, #tpu.memory_space<vmem>> -> memref<1x256xi32, #tpu.memory_space<vmem>>
        %dma_wait3A_183 = tpu.memref_squeeze %dma_wait3A_182 : memref<1x256xi32, #tpu.memory_space<vmem>> -> memref<256xi32, #tpu.memory_space<vmem>>
        %dma_wait3A_184 = arith.constant 0 : i32
        %dma_wait3A_185 = arith.constant 0 : i32
        %dma_wait3A_186 = tpu.memref_slice %arg10[%dma_wait3A_184, %dma_wait3A_185] : memref<10240x32xf32, #tpu.memory_space<vmem_shared>> -> memref<10240x32xf32, #tpu.memory_space<vmem_shared>>
        tpu.wait_indirect_dma semaphore(%run_scoped3A : memref<!tpu.dma_semaphore, #tpu.memory_space<semaphore_mem>>) src(%dma_wait3A_180 : memref<256x32xf32, #tpu.memory_space<vmem>>) dst(%dma_wait3A_186 : memref<10240x32xf32, #tpu.memory_space<vmem_shared>>)
        tpu.yield
      }) : () -> ()
      %add3A_161 = arith.constant 8 : i32
      %add3A_162 = arith.addi %while3A_148, %add3A_161 : i32
      %lt3A_163 = arith.cmpi slt, %add3A_162, %add3A_9 : i32
      %convert_element_type3A_164 = arith.extui %lt3A_163 : i1 to i32
      %cond3A_165 = arith.constant 0 : i32
      %cond3A_166 = arith.cmpi ne, %convert_element_type3A_164, %cond3A_165 : i32
      scf.if %cond3A_166 {
        %add3A_167 = arith.constant 8 : i32
        %add3A_168 = arith.addi %while3A_148, %add3A_167 : i32
        %dma_start3A_169 = arith.constant 0 : i32
        %dma_start3A_170 = arith.constant 0 : i32
        %dma_start3A_171 = tpu.memref_slice %arg9[%rem3A_149, %dma_start3A_169, %dma_start3A_170] : memref<8x256x32xf32, #tpu.memory_space<vmem>> -> memref<1x256x32xf32, #tpu.memory_space<vmem>>
        %dma_start3A_172 = tpu.memref_squeeze %dma_start3A_171 : memref<1x256x32xf32, #tpu.memory_space<vmem>> -> memref<256x32xf32, #tpu.memory_space<vmem>>
        %dma_start3A_173 = arith.constant 0 : i32
        %dma_start3A_174 = tpu.memref_slice %arg7[%add3A_168, %dma_start3A_173] : memref<40x256xi32, #tpu.memory_space<vmem>> -> memref<1x256xi32, #tpu.memory_space<vmem>>
        %dma_start3A_175 = tpu.memref_squeeze %dma_start3A_174 : memref<1x256xi32, #tpu.memory_space<vmem>> -> memref<256xi32, #tpu.memory_space<vmem>>
        %dma_start3A_176 = arith.constant 0 : i32
        %dma_start3A_177 = arith.constant 0 : i32
        %dma_start3A_178 = tpu.memref_slice %arg4[%dma_start3A_176, %dma_start3A_177] : memref<10240x32xf32, #tpu.memory_space<hbm>> -> memref<10240x32xf32, #tpu.memory_space<hbm>>
        %dma_start3A_179 = tpu.memref_slice %arg11[%rem3A_149] : memref<8x!tpu.dma_semaphore, #tpu.memory_space<semaphore_mem>> -> memref<1x!tpu.dma_semaphore, #tpu.memory_space<semaphore_mem>>
        %dma_start3A_180 = tpu.memref_squeeze %dma_start3A_179 : memref<1x!tpu.dma_semaphore, #tpu.memory_space<semaphore_mem>> -> memref<!tpu.dma_semaphore, #tpu.memory_space<semaphore_mem>>
        tpu.enqueue_indirect_dma source(%dma_start3A_178 : memref<10240x32xf32, #tpu.memory_space<hbm>>) target(%dma_start3A_172 : memref<256x32xf32, #tpu.memory_space<vmem>>) offsets(%dma_start3A_175 : memref<256xi32, #tpu.memory_space<vmem>>) semaphore(%dma_start3A_180 : memref<!tpu.dma_semaphore, #tpu.memory_space<semaphore_mem>>)
      } else {
      }
    }
    %while3A_146 = arith.constant 1 : i32
    scf.for %while3A_148 = %while3A_144 to %while3A_140 step %while3A_146  : i32 {
      %rem3A = arith.constant 8 : i32
      %rem3A_149 = arith.remsi %while3A_148, %rem3A : i32
      %dma_wait3A = arith.constant 0 : i32
      %dma_wait3A_150 = arith.constant 0 : i32
      %dma_wait3A_151 = tpu.memref_slice %arg9[%rem3A_149, %dma_wait3A, %dma_wait3A_150] : memref<8x256x32xf32, #tpu.memory_space<vmem>> -> memref<1x256x32xf32, #tpu.memory_space<vmem>>
      %dma_wait3A_152 = tpu.memref_squeeze %dma_wait3A_151 : memref<1x256x32xf32, #tpu.memory_space<vmem>> -> memref<256x32xf32, #tpu.memory_space<vmem>>
      %dma_wait3A_153 = arith.constant 0 : i32
      %dma_wait3A_154 = tpu.memref_slice %arg7[%while3A_148, %dma_wait3A_153] : memref<40x256xi32, #tpu.memory_space<vmem>> -> memref<1x256xi32, #tpu.memory_space<vmem>>
      %dma_wait3A_155 = tpu.memref_squeeze %dma_wait3A_154 : memref<1x256xi32, #tpu.memory_space<vmem>> -> memref<256xi32, #tpu.memory_space<vmem>>
      %dma_wait3A_156 = arith.constant 0 : i32
      %dma_wait3A_157 = arith.constant 0 : i32
      %dma_wait3A_158 = tpu.memref_slice %arg4[%dma_wait3A_156, %dma_wait3A_157] : memref<10240x32xf32, #tpu.memory_space<hbm>> -> memref<10240x32xf32, #tpu.memory_space<hbm>>
      %dma_wait3A_159 = tpu.memref_slice %arg11[%rem3A_149] : memref<8x!tpu.dma_semaphore, #tpu.memory_space<semaphore_mem>> -> memref<1x!tpu.dma_semaphore, #tpu.memory_space<semaphore_mem>>
      %dma_wait3A_160 = tpu.memref_squeeze %dma_wait3A_159 : memref<1x!tpu.dma_semaphore, #tpu.memory_space<semaphore_mem>> -> memref<!tpu.dma_semaphore, #tpu.memory_space<semaphore_mem>>
      tpu.wait_indirect_dma semaphore(%dma_wait3A_160 : memref<!tpu.dma_semaphore, #tpu.memory_space<semaphore_mem>>) src(%dma_wait3A_158 : memref<10240x32xf32, #tpu.memory_space<hbm>>) dst(%dma_wait3A_152 : memref<256x32xf32, #tpu.memory_space<vmem>>)
      "tpu.region"() ({
        %run_scoped3A = tpu.sem_alloc : memref<!tpu.dma_semaphore, #tpu.memory_space<semaphore_mem>>
        %dma_start3A_167 = arith.constant 0 : i32
        %dma_start3A_168 = arith.constant 0 : i32
        %dma_start3A_169 = tpu.memref_slice %arg9[%rem3A_149, %dma_start3A_167, %dma_start3A_168] : memref<8x256x32xf32, #tpu.memory_space<vmem>> -> memref<1x256x32xf32, #tpu.memory_space<vmem>>
        %dma_start3A_170 = tpu.memref_squeeze %dma_start3A_169 : memref<1x256x32xf32, #tpu.memory_space<vmem>> -> memref<256x32xf32, #tpu.memory_space<vmem>>
        %dma_start3A_171 = arith.constant 0 : i32
        %dma_start3A_172 = tpu.memref_slice %arg8[%while3A_148, %dma_start3A_171] : memref<40x256xi32, #tpu.memory_space<vmem>> -> memref<1x256xi32, #tpu.memory_space<vmem>>
        %dma_start3A_173 = tpu.memref_squeeze %dma_start3A_172 : memref<1x256xi32, #tpu.memory_space<vmem>> -> memref<256xi32, #tpu.memory_space<vmem>>
        %dma_start3A_174 = arith.constant 0 : i32
        %dma_start3A_175 = arith.constant 0 : i32
        %dma_start3A_176 = tpu.memref_slice %arg10[%dma_start3A_174, %dma_start3A_175] : memref<10240x32xf32, #tpu.memory_space<vmem_shared>> -> memref<10240x32xf32, #tpu.memory_space<vmem_shared>>
        tpu.enqueue_indirect_dma source(%dma_start3A_170 : memref<256x32xf32, #tpu.memory_space<vmem>>) target(%dma_start3A_176 : memref<10240x32xf32, #tpu.memory_space<vmem_shared>>) offsets(%dma_start3A_173 : memref<256xi32, #tpu.memory_space<vmem>>) semaphore(%run_scoped3A : memref<!tpu.dma_semaphore, #tpu.memory_space<semaphore_mem>>) {add = true}
        %dma_wait3A_177 = arith.constant 0 : i32
        %dma_wait3A_178 = arith.constant 0 : i32
        %dma_wait3A_179 = tpu.memref_slice %arg9[%rem3A_149, %dma_wait3A_177, %dma_wait3A_178] : memref<8x256x32xf32, #tpu.memory_space<vmem>> -> memref<1x256x32xf32, #tpu.memory_space<vmem>>
        %dma_wait3A_180 = tpu.memref_squeeze %dma_wait3A_179 : memref<1x256x32xf32, #tpu.memory_space<vmem>> -> memref<256x32xf32, #tpu.memory_space<vmem>>
        %dma_wait3A_181 = arith.constant 0 : i32
        %dma_wait3A_182 = tpu.memref_slice %arg8[%while3A_148, %dma_wait3A_181] : memref<40x256xi32, #tpu.memory_space<vmem>> -> memref<1x256xi32, #tpu.memory_space<vmem>>
        %dma_wait3A_183 = tpu.memref_squeeze %dma_wait3A_182 : memref<1x256xi32, #tpu.memory_space<vmem>> -> memref<256xi32, #tpu.memory_space<vmem>>
        %dma_wait3A_184 = arith.constant 0 : i32
        %dma_wait3A_185 = arith.constant 0 : i32
        %dma_wait3A_186 = tpu.memref_slice %arg10[%dma_wait3A_184, %dma_wait3A_185] : memref<10240x32xf32, #tpu.memory_space<vmem_shared>> -> memref<10240x32xf32, #tpu.memory_space<vmem_shared>>
        tpu.wait_indirect_dma semaphore(%run_scoped3A : memref<!tpu.dma_semaphore, #tpu.memory_space<semaphore_mem>>) src(%dma_wait3A_180 : memref<256x32xf32, #tpu.memory_space<vmem>>) dst(%dma_wait3A_186 : memref<10240x32xf32, #tpu.memory_space<vmem_shared>>)
        tpu.yield
      }) : () -> ()
      %add3A_161 = arith.constant 8 : i32
      %add3A_162 = arith.addi %while3A_148, %add3A_161 : i32
      %lt3A_163 = arith.cmpi slt, %add3A_162, %add3A_9 : i32
      %convert_element_type3A_164 = arith.extui %lt3A_163 : i1 to i32
      %cond3A_165 = arith.constant 0 : i32
      %cond3A_166 = arith.cmpi ne, %convert_element_type3A_164, %cond3A_165 : i32
      scf.if %cond3A_166 {
        %add3A_167 = arith.constant 8 : i32
        %add3A_168 = arith.addi %while3A_148, %add3A_167 : i32
        %dma_start3A_169 = arith.constant 0 : i32
        %dma_start3A_170 = arith.constant 0 : i32
        %dma_start3A_171 = tpu.memref_slice %arg9[%rem3A_149, %dma_start3A_169, %dma_start3A_170] : memref<8x256x32xf32, #tpu.memory_space<vmem>> -> memref<1x256x32xf32, #tpu.memory_space<vmem>>
        %dma_start3A_172 = tpu.memref_squeeze %dma_start3A_171 : memref<1x256x32xf32, #tpu.memory_space<vmem>> -> memref<256x32xf32, #tpu.memory_space<vmem>>
        %dma_start3A_173 = arith.constant 0 : i32
        %dma_start3A_174 = tpu.memref_slice %arg7[%add3A_168, %dma_start3A_173] : memref<40x256xi32, #tpu.memory_space<vmem>> -> memref<1x256xi32, #tpu.memory_space<vmem>>
        %dma_start3A_175 = tpu.memref_squeeze %dma_start3A_174 : memref<1x256xi32, #tpu.memory_space<vmem>> -> memref<256xi32, #tpu.memory_space<vmem>>
        %dma_start3A_176 = arith.constant 0 : i32
        %dma_start3A_177 = arith.constant 0 : i32
        %dma_start3A_178 = tpu.memref_slice %arg4[%dma_start3A_176, %dma_start3A_177] : memref<10240x32xf32, #tpu.memory_space<hbm>> -> memref<10240x32xf32, #tpu.memory_space<hbm>>
        %dma_start3A_179 = tpu.memref_slice %arg11[%rem3A_149] : memref<8x!tpu.dma_semaphore, #tpu.memory_space<semaphore_mem>> -> memref<1x!tpu.dma_semaphore, #tpu.memory_space<semaphore_mem>>
        %dma_start3A_180 = tpu.memref_squeeze %dma_start3A_179 : memref<1x!tpu.dma_semaphore, #tpu.memory_space<semaphore_mem>> -> memref<!tpu.dma_semaphore, #tpu.memory_space<semaphore_mem>>
        tpu.enqueue_indirect_dma source(%dma_start3A_178 : memref<10240x32xf32, #tpu.memory_space<hbm>>) target(%dma_start3A_172 : memref<256x32xf32, #tpu.memory_space<vmem>>) offsets(%dma_start3A_175 : memref<256xi32, #tpu.memory_space<vmem>>) semaphore(%dma_start3A_180 : memref<!tpu.dma_semaphore, #tpu.memory_space<semaphore_mem>>)
      } else {
      }
    }
    %barrier3A_147 = arith.constant 0 : index
    tpu.barrier barrier_id(%barrier3A_147)
    "tpu.region"() ({
      %run_scoped3A = tpu.sem_alloc : memref<!tpu.dma_semaphore, #tpu.memory_space<semaphore_mem>>
      %dma_start3A_148 = arith.constant 0 : i32
      %dma_start3A_149 = tpu.memref_slice %arg6[%arg0, %mul3A_2, %dma_start3A_148] : memref<2x10240x32xf32, #tpu.memory_space<hbm>> -> memref<1x640x32xf32, #tpu.memory_space<hbm>>
      %dma_start3A_150 = tpu.memref_squeeze %dma_start3A_149 : memref<1x640x32xf32, #tpu.memory_space<hbm>> -> memref<640x32xf32, #tpu.memory_space<hbm>>
      %dma_start3A_151 = arith.constant 0 : i32
      %dma_start3A_152 = tpu.memref_slice %arg10[%mul3A_2, %dma_start3A_151] : memref<10240x32xf32, #tpu.memory_space<vmem_shared>> -> memref<640x32xf32, #tpu.memory_space<vmem_shared>>
      tpu.enqueue_dma source(%dma_start3A_152 : memref<640x32xf32, #tpu.memory_space<vmem_shared>>) target(%dma_start3A_150 : memref<640x32xf32, #tpu.memory_space<hbm>>) target_semaphore(%run_scoped3A : memref<!tpu.dma_semaphore, #tpu.memory_space<semaphore_mem>>)
      %dma_wait3A = arith.constant 0 : i32
      %dma_wait3A_153 = tpu.memref_slice %arg6[%arg0, %mul3A_2, %dma_wait3A] : memref<2x10240x32xf32, #tpu.memory_space<hbm>> -> memref<1x640x32xf32, #tpu.memory_space<hbm>>
      %dma_wait3A_154 = tpu.memref_squeeze %dma_wait3A_153 : memref<1x640x32xf32, #tpu.memory_space<hbm>> -> memref<640x32xf32, #tpu.memory_space<hbm>>
      %dma_wait3A_155 = arith.constant 0 : i32
      %dma_wait3A_156 = tpu.memref_slice %arg10[%mul3A_2, %dma_wait3A_155] : memref<10240x32xf32, #tpu.memory_space<vmem_shared>> -> memref<640x32xf32, #tpu.memory_space<vmem_shared>>
      tpu.wait_dma2 semaphore(%run_scoped3A : memref<!tpu.dma_semaphore, #tpu.memory_space<semaphore_mem>>) src(%dma_wait3A_156 : memref<640x32xf32, #tpu.memory_space<vmem_shared>>) dst(%dma_wait3A_154 : memref<640x32xf32, #tpu.memory_space<hbm>>)
      tpu.yield
    }) : () -> ()
    return
  }
}

module attributes {stable_mosaic.version = 14 : i64} {
  func.func @_mm_body(%arg0: i32, %arg1: memref<2048x128xf32, #tpu.memory_space<vmem>>, %arg2: memref<128x32xf32, #tpu.memory_space<vmem>>, %arg3: memref<2048x32xf32, #tpu.memory_space<vmem>>) attributes {dimension_semantics = [#tpu.dimension_semantics<arbitrary>], iteration_bounds = array<i64: 5>, scalar_prefetch = 0 : i64, scratch_operands = 0 : i64, tpu.core_type = #tpu.core_type<tc>, window_params = [{transform_indices = @transform_0, window_bounds = array<i64: 2048, 128>}, {pipeline_mode = #tpu.pipeline_mode<synchronous>, transform_indices = @transform_1, window_bounds = array<i64: 128, 32>}, {transform_indices = @transform_2, window_bounds = array<i64: 2048, 32>}]} {
    %get3A = arith.constant 0 : index
    %get3A_0 = arith.constant 0 : index
    %get3A_1 = vector.load %arg1[%get3A, %get3A_0] : memref<2048x128xf32, #tpu.memory_space<vmem>>, vector<2048x128xf32>
    %get3A_2 = arith.constant 0 : index
    %get3A_3 = arith.constant 0 : index
    %get3A_4 = vector.load %arg2[%get3A_2, %get3A_3] : memref<128x32xf32, #tpu.memory_space<vmem>>, vector<128x32xf32>
    %dot_general3A = arith.constant dense<0.000000e+00> : vector<2048x32xf32>
    %dot_general3A_5 = tpu.matmul %get3A_1, %get3A_4, %dot_general3A {dimension_numbers = #tpu.dot_dimension_numbers<[1], [0], [0], [1], [0, 0, 1, 1], [], []>, transpose_lhs_hint = false} : vector<2048x128xf32>, vector<128x32xf32>, vector<2048x32xf32> -> vector<2048x32xf32>
    %swap3A = arith.constant 0 : index
    %swap3A_6 = arith.constant 0 : index
    %swap3A_7 = vector.load %arg3[%swap3A, %swap3A_6] : memref<2048x32xf32, #tpu.memory_space<vmem>>, vector<2048x32xf32>
    tpu.vector_store %arg3[%swap3A, %swap3A_6], %dot_general3A_5 {strides = array<i32>} : memref<2048x32xf32, #tpu.memory_space<vmem>>, vector<2048x32xf32>,
    return
  }
  func.func @transform_0(%arg0: i32) -> (i32, i32) {
    %c0_i32 = arith.constant 0 : i32
    %c0_i32_0 = arith.constant 0 : i32
    return %arg0, %c0_i32 : i32, i32
  }
  func.func @transform_1(%arg0: i32) -> (i32, i32) {
    %c0_i32 = arith.constant 0 : i32
    %c0_i32_0 = arith.constant 0 : i32
    %c0_i32_1 = arith.constant 0 : i32
    return %c0_i32, %c0_i32_0 : i32, i32
  }
  func.func @transform_2(%arg0: i32) -> (i32, i32) {
    %c0_i32 = arith.constant 0 : i32
    %c0_i32_0 = arith.constant 0 : i32
    return %arg0, %c0_i32 : i32, i32
  }
}

module attributes {stable_mosaic.version = 14 : i64} {
  func.func @_scale_body(%arg0: i32, %arg1: memref<2x2048x8xf32, #tpu.memory_space<vmem>>, %arg2: memref<2048x32xf32, #tpu.memory_space<vmem>>, %arg3: memref<2048x32xf32, #tpu.memory_space<vmem>>, %arg4: memref<2048x8xf32, #tpu.memory_space<vmem>>) attributes {dimension_semantics = [#tpu.dimension_semantics<arbitrary>], iteration_bounds = array<i64: 5>, scalar_prefetch = 0 : i64, scratch_operands = 0 : i64, tpu.core_type = #tpu.core_type<tc>, window_params = [{transform_indices = @transform_0, window_bounds = array<i64: 2, 2048, 8>}, {transform_indices = @transform_1, window_bounds = array<i64: 2048, 32>}, {transform_indices = @transform_2, window_bounds = array<i64: 2048, 32>}, {transform_indices = @transform_3, window_bounds = array<i64: 2048, 8>}]} {
    %get3A = arith.constant 0 : index
    %get3A_0 = arith.constant 0 : index
    %get3A_1 = arith.constant 0 : index
    %get3A_2 = vector.load %arg1[%get3A, %get3A_0, %get3A_1] : memref<2x2048x8xf32, #tpu.memory_space<vmem>>, vector<1x2048x8xf32>
    %get3A_3 = vector.shape_cast %get3A_2 : vector<1x2048x8xf32> to vector<2048x8xf32>
    %get3A_4 = arith.constant 1 : index
    %get3A_5 = arith.constant 0 : index
    %get3A_6 = arith.constant 0 : index
    %get3A_7 = vector.load %arg1[%get3A_4, %get3A_5, %get3A_6] : memref<2x2048x8xf32, #tpu.memory_space<vmem>>, vector<1x2048x8xf32>
    %get3A_8 = vector.shape_cast %get3A_7 : vector<1x2048x8xf32> to vector<2048x8xf32>
    %add3A = arith.addf %get3A_3, %get3A_8 : vector<2048x8xf32>
    %slice3A = vector.extract_strided_slice %add3A {offsets = [0, 0], sizes = [2048, 1], strides = [1, 1]} : vector<2048x8xf32> to vector<2048x1xf32>
    %add3A_9 = arith.constant 1.000000e+00 : f32
    %add3A_10 = vector.broadcast %add3A_9 : f32 to vector<2048x1xf32>
    %add3A_11 = arith.addf %slice3A, %add3A_10 : vector<2048x1xf32>
    %rsqrt3A = math.rsqrt %add3A_11 : vector<2048x1xf32>
    %get3A_12 = arith.constant 0 : index
    %get3A_13 = arith.constant 0 : index
    %get3A_14 = vector.load %arg2[%get3A_12, %get3A_13] : memref<2048x32xf32, #tpu.memory_space<vmem>>, vector<2048x32xf32>
    %mul3A = vector.broadcast %rsqrt3A : vector<2048x1xf32> to vector<2048x32xf32>
    %mul3A_15 = arith.mulf %get3A_14, %mul3A : vector<2048x32xf32>
    %swap3A = arith.constant 0 : index
    %swap3A_16 = arith.constant 0 : index
    %swap3A_17 = vector.load %arg3[%swap3A, %swap3A_16] : memref<2048x32xf32, #tpu.memory_space<vmem>>, vector<2048x32xf32>
    tpu.vector_store %arg3[%swap3A, %swap3A_16], %mul3A_15 {strides = array<i32>} : memref<2048x32xf32, #tpu.memory_space<vmem>>, vector<2048x32xf32>,
    %broadcast_in_dim3A = vector.shape_cast %rsqrt3A : vector<2048x1xf32> to vector<2048x1xf32>
    %broadcast_in_dim3A_18 = vector.broadcast %broadcast_in_dim3A : vector<2048x1xf32> to vector<2048x8xf32>
    %swap3A_19 = arith.constant 0 : index
    %swap3A_20 = arith.constant 0 : index
    %swap3A_21 = vector.load %arg4[%swap3A_19, %swap3A_20] : memref<2048x8xf32, #tpu.memory_space<vmem>>, vector<2048x8xf32>
    tpu.vector_store %arg4[%swap3A_19, %swap3A_20], %broadcast_in_dim3A_18 {strides = array<i32>} : memref<2048x8xf32, #tpu.memory_space<vmem>>, vector<2048x8xf32>,
    return
  }
  func.func @transform_0(%arg0: i32) -> (i32, i32, i32) {
    %c0_i32 = arith.constant 0 : i32
    %c0_i32_0 = arith.constant 0 : i32
    %c0_i32_1 = arith.constant 0 : i32
    return %c0_i32, %arg0, %c0_i32_0 : i32, i32, i32
  }
  func.func @transform_1(%arg0: i32) -> (i32, i32) {
    %c0_i32 = arith.constant 0 : i32
    %c0_i32_0 = arith.constant 0 : i32
    return %arg0, %c0_i32 : i32, i32
  }
  func.func @transform_2(%arg0: i32) -> (i32, i32) {
    %c0_i32 = arith.constant 0 : i32
    %c0_i32_0 = arith.constant 0 : i32
    return %arg0, %c0_i32 : i32, i32
  }
  func.func @transform_3(%arg0: i32) -> (i32, i32) {
    %c0_i32 = arith.constant 0 : i32
    %c0_i32_0 = arith.constant 0 : i32
    return %arg0, %c0_i32 : i32, i32
  }
}

module attributes {stable_mosaic.version = 14 : i64} {
  func.func @_tc2_body(%arg0: i32, %arg1: memref<2x2048x32xf32, #tpu.memory_space<vmem>>, %arg2: memref<2048x32xf32, #tpu.memory_space<vmem>>, %arg3: memref<2048x8xf32, #tpu.memory_space<vmem>>, %arg4: memref<1x32xf32, #tpu.memory_space<vmem>>, %arg5: memref<32x32xf32, #tpu.memory_space<vmem>>, %arg6: memref<2048x32xf32, #tpu.memory_space<vmem>>) attributes {dimension_semantics = [#tpu.dimension_semantics<arbitrary>], iteration_bounds = array<i64: 5>, scalar_prefetch = 0 : i64, scratch_operands = 0 : i64, tpu.core_type = #tpu.core_type<tc>, window_params = [{transform_indices = @transform_0, window_bounds = array<i64: 2, 2048, 32>}, {transform_indices = @transform_1, window_bounds = array<i64: 2048, 32>}, {transform_indices = @transform_2, window_bounds = array<i64: 2048, 8>}, {pipeline_mode = #tpu.pipeline_mode<synchronous>, transform_indices = @transform_3, window_bounds = array<i64: 1, 32>}, {pipeline_mode = #tpu.pipeline_mode<synchronous>, transform_indices = @transform_4, window_bounds = array<i64: 32, 32>}, {transform_indices = @transform_5, window_bounds = array<i64: 2048, 32>}]} {
    %get3A = arith.constant 0 : index
    %get3A_0 = arith.constant 0 : index
    %get3A_1 = vector.load %arg3[%get3A, %get3A_0] : memref<2048x8xf32, #tpu.memory_space<vmem>>, vector<2048x1xf32>
    %get3A_2 = arith.constant 0 : index
    %get3A_3 = arith.constant 0 : index
    %get3A_4 = arith.constant 0 : index
    %get3A_5 = vector.load %arg1[%get3A_2, %get3A_3, %get3A_4] : memref<2x2048x32xf32, #tpu.memory_space<vmem>>, vector<1x2048x32xf32>
    %get3A_6 = vector.shape_cast %get3A_5 : vector<1x2048x32xf32> to vector<2048x32xf32>
    %get3A_7 = arith.constant 1 : index
    %get3A_8 = arith.constant 0 : index
    %get3A_9 = arith.constant 0 : index
    %get3A_10 = vector.load %arg1[%get3A_7, %get3A_8, %get3A_9] : memref<2x2048x32xf32, #tpu.memory_space<vmem>>, vector<1x2048x32xf32>
    %get3A_11 = vector.shape_cast %get3A_10 : vector<1x2048x32xf32> to vector<2048x32xf32>
    %add3A = arith.addf %get3A_6, %get3A_11 : vector<2048x32xf32>
    %get3A_12 = arith.constant 0 : index
    %get3A_13 = arith.constant 0 : index
    %get3A_14 = vector.load %arg2[%get3A_12, %get3A_13] : memref<2048x32xf32, #tpu.memory_space<vmem>>, vector<2048x32xf32>
    %add3A_15 = arith.addf %add3A, %get3A_14 : vector<2048x32xf32>
    %mul3A = vector.broadcast %get3A_1 : vector<2048x1xf32> to vector<2048x32xf32>
    %mul3A_16 = arith.mulf %add3A_15, %mul3A : vector<2048x32xf32>
    %get3A_17 = arith.constant 0 : index
    %get3A_18 = arith.constant 0 : index
    %get3A_19 = vector.load %arg4[%get3A_17, %get3A_18] : memref<1x32xf32, #tpu.memory_space<vmem>>, vector<1x32xf32>
    %add3A_20 = vector.broadcast %get3A_19 : vector<1x32xf32> to vector<2048x32xf32>
    %add3A_21 = arith.addf %mul3A_16, %add3A_20 : vector<2048x32xf32>
    %max3A = arith.constant 0.000000e+00 : f32
    %max3A_22 = vector.broadcast %max3A : f32 to vector<2048x32xf32>
    %max3A_23 = arith.maximumf %add3A_21, %max3A_22 : vector<2048x32xf32>
    %get3A_24 = arith.constant 0 : index
    %get3A_25 = arith.constant 0 : index
    %get3A_26 = vector.load %arg5[%get3A_24, %get3A_25] : memref<32x32xf32, #tpu.memory_space<vmem>>, vector<32x32xf32>
    %dot_general3A = arith.constant dense<0.000000e+00> : vector<2048x32xf32>
    %dot_general3A_27 = tpu.matmul %max3A_23, %get3A_26, %dot_general3A {dimension_numbers = #tpu.dot_dimension_numbers<[1], [0], [0], [1], [0, 0, 1, 1], [], []>, transpose_lhs_hint = false} : vector<2048x32xf32>, vector<32x32xf32>, vector<2048x32xf32> -> vector<2048x32xf32>
    %mul3A_28 = vector.broadcast %get3A_1 : vector<2048x1xf32> to vector<2048x32xf32>
    %mul3A_29 = arith.mulf %dot_general3A_27, %mul3A_28 : vector<2048x32xf32>
    %swap3A = arith.constant 0 : index
    %swap3A_30 = arith.constant 0 : index
    %swap3A_31 = vector.load %arg6[%swap3A, %swap3A_30] : memref<2048x32xf32, #tpu.memory_space<vmem>>, vector<2048x32xf32>
    tpu.vector_store %arg6[%swap3A, %swap3A_30], %mul3A_29 {strides = array<i32>} : memref<2048x32xf32, #tpu.memory_space<vmem>>, vector<2048x32xf32>,
    return
  }
  func.func @transform_0(%arg0: i32) -> (i32, i32, i32) {
    %c0_i32 = arith.constant 0 : i32
    %c0_i32_0 = arith.constant 0 : i32
    %c0_i32_1 = arith.constant 0 : i32
    return %c0_i32, %arg0, %c0_i32_0 : i32, i32, i32
  }
  func.func @transform_1(%arg0: i32) -> (i32, i32) {
    %c0_i32 = arith.constant 0 : i32
    %c0_i32_0 = arith.constant 0 : i32
    return %arg0, %c0_i32 : i32, i32
  }
  func.func @transform_2(%arg0: i32) -> (i32, i32) {
    %c0_i32 = arith.constant 0 : i32
    %c0_i32_0 = arith.constant 0 : i32
    return %arg0, %c0_i32 : i32, i32
  }
  func.func @transform_3(%arg0: i32) -> (i32, i32) {
    %c0_i32 = arith.constant 0 : i32
    %c0_i32_0 = arith.constant 0 : i32
    %c0_i32_1 = arith.constant 0 : i32
    return %c0_i32, %c0_i32_0 : i32, i32
  }
  func.func @transform_4(%arg0: i32) -> (i32, i32) {
    %c0_i32 = arith.constant 0 : i32
    %c0_i32_0 = arith.constant 0 : i32
    %c0_i32_1 = arith.constant 0 : i32
    return %c0_i32, %c0_i32_0 : i32, i32
  }
  func.func @transform_5(%arg0: i32) -> (i32, i32) {
    %c0_i32 = arith.constant 0 : i32
    %c0_i32_0 = arith.constant 0 : i32
    return %arg0, %c0_i32 : i32, i32
  }
}

module attributes {stable_mosaic.version = 14 : i64} {
  func.func @_tc3_body(%arg0: i32, %arg1: memref<2x1000x32xf32, #tpu.memory_space<vmem>>, %arg2: memref<1000x32xf32, #tpu.memory_space<vmem>>, %arg3: memref<1000x8xf32, #tpu.memory_space<vmem>>, %arg4: memref<1x32xf32, #tpu.memory_space<vmem>>, %arg5: memref<1000x16xf32, #tpu.memory_space<vmem>>, %arg6: memref<1000x16xf32, #tpu.memory_space<vmem>>) attributes {dimension_semantics = [#tpu.dimension_semantics<arbitrary>], iteration_bounds = array<i64: 10>, scalar_prefetch = 0 : i64, scratch_operands = 0 : i64, tpu.core_type = #tpu.core_type<tc>, window_params = [{transform_indices = @transform_0, window_bounds = array<i64: 2, 1000, 32>}, {transform_indices = @transform_1, window_bounds = array<i64: 1000, 32>}, {transform_indices = @transform_2, window_bounds = array<i64: 1000, 8>}, {pipeline_mode = #tpu.pipeline_mode<synchronous>, transform_indices = @transform_3, window_bounds = array<i64: 1, 32>}, {transform_indices = @transform_4, window_bounds = array<i64: 1000, 16>}, {transform_indices = @transform_5, window_bounds = array<i64: 1000, 16>}]} {
    %get3A = arith.constant 0 : index
    %get3A_0 = arith.constant 0 : index
    %get3A_1 = vector.load %arg3[%get3A, %get3A_0] : memref<1000x8xf32, #tpu.memory_space<vmem>>, vector<1000x1xf32>
    %get3A_2 = arith.constant 0 : index
    %get3A_3 = arith.constant 0 : index
    %get3A_4 = arith.constant 0 : index
    %get3A_5 = vector.load %arg1[%get3A_2, %get3A_3, %get3A_4] : memref<2x1000x32xf32, #tpu.memory_space<vmem>>, vector<1x1000x32xf32>
    %get3A_6 = vector.shape_cast %get3A_5 : vector<1x1000x32xf32> to vector<1000x32xf32>
    %get3A_7 = arith.constant 1 : index
    %get3A_8 = arith.constant 0 : index
    %get3A_9 = arith.constant 0 : index
    %get3A_10 = vector.load %arg1[%get3A_7, %get3A_8, %get3A_9] : memref<2x1000x32xf32, #tpu.memory_space<vmem>>, vector<1x1000x32xf32>
    %get3A_11 = vector.shape_cast %get3A_10 : vector<1x1000x32xf32> to vector<1000x32xf32>
    %add3A = arith.addf %get3A_6, %get3A_11 : vector<1000x32xf32>
    %get3A_12 = arith.constant 0 : index
    %get3A_13 = arith.constant 0 : index
    %get3A_14 = vector.load %arg2[%get3A_12, %get3A_13] : memref<1000x32xf32, #tpu.memory_space<vmem>>, vector<1000x32xf32>
    %add3A_15 = arith.addf %add3A, %get3A_14 : vector<1000x32xf32>
    %mul3A = vector.broadcast %get3A_1 : vector<1000x1xf32> to vector<1000x32xf32>
    %mul3A_16 = arith.mulf %add3A_15, %mul3A : vector<1000x32xf32>
    %get3A_17 = arith.constant 0 : index
    %get3A_18 = arith.constant 0 : index
    %get3A_19 = vector.load %arg4[%get3A_17, %get3A_18] : memref<1x32xf32, #tpu.memory_space<vmem>>, vector<1x32xf32>
    %add3A_20 = vector.broadcast %get3A_19 : vector<1x32xf32> to vector<1000x32xf32>
    %add3A_21 = arith.addf %mul3A_16, %add3A_20 : vector<1000x32xf32>
    %slice3A = vector.extract_strided_slice %add3A_21 {offsets = [0, 0], sizes = [1000, 16], strides = [1, 1]} : vector<1000x32xf32> to vector<1000x16xf32>
    %swap3A = arith.constant 0 : index
    %swap3A_22 = arith.constant 0 : index
    %swap3A_23 = vector.load %arg5[%swap3A, %swap3A_22] : memref<1000x16xf32, #tpu.memory_space<vmem>>, vector<1000x16xf32>
    tpu.vector_store %arg5[%swap3A, %swap3A_22], %slice3A {strides = array<i32>} : memref<1000x16xf32, #tpu.memory_space<vmem>>, vector<1000x16xf32>,
    %slice3A_24 = vector.extract_strided_slice %add3A_21 {offsets = [0, 16], sizes = [1000, 16], strides = [1, 1]} : vector<1000x32xf32> to vector<1000x16xf32>
    %swap3A_25 = arith.constant 0 : index
    %swap3A_26 = arith.constant 0 : index
    %swap3A_27 = vector.load %arg6[%swap3A_25, %swap3A_26] : memref<1000x16xf32, #tpu.memory_space<vmem>>, vector<1000x16xf32>
    tpu.vector_store %arg6[%swap3A_25, %swap3A_26], %slice3A_24 {strides = array<i32>} : memref<1000x16xf32, #tpu.memory_space<vmem>>, vector<1000x16xf32>,
    return
  }
  func.func @transform_0(%arg0: i32) -> (i32, i32, i32) {
    %c0_i32 = arith.constant 0 : i32
    %c0_i32_0 = arith.constant 0 : i32
    %c0_i32_1 = arith.constant 0 : i32
    return %c0_i32, %arg0, %c0_i32_0 : i32, i32, i32
  }
  func.func @transform_1(%arg0: i32) -> (i32, i32) {
    %c0_i32 = arith.constant 0 : i32
    %c0_i32_0 = arith.constant 0 : i32
    return %arg0, %c0_i32 : i32, i32
  }
  func.func @transform_2(%arg0: i32) -> (i32, i32) {
    %c0_i32 = arith.constant 0 : i32
    %c0_i32_0 = arith.constant 0 : i32
    return %arg0, %c0_i32 : i32, i32
  }
  func.func @transform_3(%arg0: i32) -> (i32, i32) {
    %c0_i32 = arith.constant 0 : i32
    %c0_i32_0 = arith.constant 0 : i32
    %c0_i32_1 = arith.constant 0 : i32
    return %c0_i32, %c0_i32_0 : i32, i32
  }
  func.func @transform_4(%arg0: i32) -> (i32, i32) {
    %c0_i32 = arith.constant 0 : i32
    %c0_i32_0 = arith.constant 0 : i32
    return %arg0, %c0_i32 : i32, i32
  }
  func.func @transform_5(%arg0: i32) -> (i32, i32) {
    %c0_i32 = arith.constant 0 : i32
    %c0_i32_0 = arith.constant 0 : i32
    return %arg0, %c0_i32 : i32, i32
  }
}

</mosaic_0001>

<sc_bundles>
// kernel: kernel.12.cloned.1.call-start
scs
__scs_entry_jumppad:
0x0: {  	(pc) =	sbr.rel $0x88, $3  }
0x1: {  	(tag) =	ssettag $0x0;
	lr =	simm.s32 $0x1  }
0x2: {  	[smem:$0x3F99] =	sst lr;
	_ =	strace $0xD0000000  }
0x3: {  	_ = 	snop  }
0x4: {  	_ = 	snop  }
0x5: {  	_ = 	snop  }
0x6: {  	_ = 	snop  }
0x7: {  	_ = 	snop  }
__scs_overlays_trampoline_lowered:
0x8: {  	[smem:$0x3FA8] =	sst s0  }
0x9: {  	[smem:$0x3FA9] =	sst s1  }
0xa: {  	[smem:$0x3FAA] =	sst s2  }
0xb: {  	[smem:$0x3FAB] =	sst s3  }
0xc: {  	[smem:$0x3FAC] =	sst s4  }
0xd: {  	[smem:$0x3FAD] =	sst s5  }
0xe: {  	[smem:$0x3FAE] =	sst s6  }
0xf: {  	[smem:$0x3FAF] =	sst s7  }
0x10: {  	[smem:$0x3FB0] =	sst s8  }
0x11: {  	[smem:$0x3FB1] =	sst s9;
	s0 =	simm.s32 @!p0 $0x0  }
0x12: {  	s1 =	sld [smem:$0x3F97];
	s0 =	simm.s32 @p0 $0x1  }
0x13: {  	[smem:$0x3FB2] =	sst s0;
	s0 =	simm.s32 @!p1 $0x0  }
0x14: {  	s2 =	sld [smem:$0x3F96];
	s0 =	simm.s32 @p1 $0x1  }
0x15: {  	[smem:$0x3FB3] =	sst s0;
	s0 =	simm.s32 @!p2 $0x0  }
0x16: {  	s3 =	sld [smem:$0x3FDB];
	s0 =	simm.s32 @p2 $0x1  }
0x17: {  	s4 =	simm.s32 $0x1BF5;
	[smem:$0x3FB5] =	sst s0  }
0x18: {  	s0 =	sld [smem:$0x3F98];
	_ =	swait.ge [sflag:s4], $0x0  }
0x19: {  	s7 =	sld [smem:$0x3F99]  }
0x1a: {  	s8 =	sadd.s32 $0xFFFFE003, lr  }
0x1b: {  	s9 =	sadd.s32 $0xFFFFFEF7, lr;
	s5 =	simm.s32 $0xFFFFFFFF;
	p2 =	slt.u32 s8, $0xFFFFF086  }
0x1c: {  	p1 =	slt.u32 s9, $0xF7A;
	s5 =	simm.s32 @!p2 $0x0  }
0x1d: {  	s5 =	simm.s32 @p1 $0x1;
	p0 =	seq.s32 s7, s2  }
0x1e: {  	s7 =	smul.u32 @!p0 $0xF7A, s2;
	p2 =	seq.s32 @!p0 s5, $0x0  }
0x1f: {  	s9 =	smul.u32 $0xF7A, s1;
	s8 =	simm.s32 @!p0 $0x1BF5;
	p2 =	por !p2, p0  }
0x20: {  	[sflag:s8] =	ssyncset.s32 @!p0 $0xFFFFF086;
	s6 =	sadd.s32 @!p0 s3, s7;
	s7 =	simm.s32 @!p0 $0x108  }
0x21: {  	s3 =	sadd.s32 s3, s9;
	s6 =	sadd.s32 @!p0 $0x88, s6;
	s7 =	simm.s32 @p2 $0x1082  }
0x22: {  	[simem:s7], [sflag:s8] =	dma.local @!p0 [hbm:s6], $0xF7A  }
0x23: {  	s9 =	sor.u32 $0xD0000000, s2;
	s6 =	simm.s32 $0x108;
	_ =	swait.ge @!p0 [sflag:s8], $0x0  }
0x24: {  	s3 =	sadd.s32 $0x88, s3;
	s6 =	simm.s32 @!p1 $0x1082;
	[sflag:s4] =	ssyncset.s32 $0xFFFFF086  }
0x25: {  	[simem:s6], [sflag:s4] =	dma.local [hbm:s3], $0xF7A  }
0x26: {  	[smem:$0x3F99] =	sst s1;
	(tag) =	ssettag s2;
	_ =	strace s9  }
0x27: {  	s1 =	sld [smem:$0x3FA9]  }
0x28: {  	s2 =	sld [smem:$0x3FAA]  }
0x29: {  	s4 =	sld [smem:$0x3FAC]  }
0x2a: {  	p0 =	seq.s32 s5, $0x0;
	s5 =	sld [smem:$0x3FAD]  }
0x2b: {  	s6 =	sld [smem:$0x3FAE]  }
0x2c: {  	s7 =	sld [smem:$0x3FAF]  }
0x2d: {  	s3 =	simm.s32 $0x108;
	s8 =	sld [smem:$0x3FB0]  }
0x2e: {  	s3 =	simm.s32 @!p0 $0x1082;
	s9 =	sld [smem:$0x3FB1]  }
0x2f: {  	lr =	sadd.s32 s0, s3;
	s0 =	sld [smem:$0x3FA8]  }
0x30: {  	s3 =	sld [smem:$0x3FAB]  }
0x31: {  	[smem:$0x3FB4] =	sst s10  }
0x32: {  	s10 =	sld [smem:$0x3FB2];
	_ =	sdelay $0x3  }
0x33: {  	p0 =	seq.s32 s10, $0x1;
	s10 =	sld [smem:$0x3FB4];
	_ =	sdelay $0x3  }
0x34: {  	[smem:$0x3FB4] =	sst s10  }
0x35: {  	s10 =	sld [smem:$0x3FB3];
	_ =	sdelay $0x3  }
0x36: {  	p1 =	seq.s32 s10, $0x1;
	s10 =	sld [smem:$0x3FB4];
	_ =	sdelay $0x3  }
0x37: {  	[smem:$0x3FB4] =	sst s10  }
0x38: {  	s10 =	sld [smem:$0x3FB5]  }
0x39: {  	_ = 	snop;
	(pc) =	sbr.ind lr, $3  }
0x3a: {  	_ = 	snop  }
0x3b: {  	_ = 	snop  }
0x3c: {  	p2 =	seq.s32 s10, $0x1;
	s10 =	sld [smem:$0x3FB4]  }
0x3d: {  	_ =	shalt  }
0x3e: {  	_ =	shalt  }
0x3f: {  	_ =	shalt  }
0x40: {  	_ =	shalt  }
0x41: {  	_ =	shalt  }
0x42: {  	_ =	shalt  }
0x43: {  	_ =	shalt  }
0x44: {  	_ =	shalt  }
0x45: {  	_ =	shalt  }
0x46: {  	_ =	shalt  }
0x47: {  	_ =	shalt  }
0x48: {  	_ =	shalt  }
0x49: {  	_ =	shalt  }
0x4a: {  	_ =	shalt  }
0x4b: {  	_ =	shalt  }
0x4c: {  	_ =	shalt  }
0x4d: {  	_ =	shalt  }
0x4e: {  	_ =	shalt  }
0x4f: {  	_ =	shalt  }
0x50: {  	_ =	shalt  }
0x51: {  	_ =	shalt  }
0x52: {  	_ =	shalt  }
0x53: {  	_ =	shalt  }
0x54: {  	_ =	shalt  }
0x55: {  	_ =	shalt  }
0x56: {  	_ =	shalt  }
0x57: {  	_ =	shalt  }
0x58: {  	_ =	shalt  }
0x59: {  	_ =	shalt  }
0x5a: {  	_ =	shalt  }
0x5b: {  	_ =	shalt  }
0x5c: {  	_ =	shalt  }
0x5d: {  	_ =	shalt  }
0x5e: {  	_ =	shalt  }
0x5f: {  	_ =	shalt  }
0x60: {  	_ =	shalt  }
0x61: {  	_ =	shalt  }
0x62: {  	_ =	shalt  }
0x63: {  	_ =	shalt  }
0x64: {  	_ =	shalt  }
0x65: {  	_ =	shalt  }
0x66: {  	_ =	shalt  }
0x67: {  	_ =	shalt  }
0x68: {  	_ =	shalt  }
0x69: {  	_ =	shalt  }
0x6a: {  	_ =	shalt  }
0x6b: {  	_ =	shalt  }
0x6c: {  	_ =	shalt  }
0x6d: {  	_ =	shalt  }
0x6e: {  	_ =	shalt  }
0x6f: {  	_ =	shalt  }
0x70: {  	_ =	shalt  }
0x71: {  	_ =	shalt  }
0x72: {  	_ =	shalt  }
0x73: {  	_ =	shalt  }
0x74: {  	_ =	shalt  }
0x75: {  	_ =	shalt  }
0x76: {  	_ =	shalt  }
0x77: {  	_ =	shalt  }
0x78: {  	_ =	shalt  }
0x79: {  	_ =	shalt  }
0x7a: {  	_ =	shalt  }
0x7b: {  	_ =	shalt  }
0x7c: {  	_ =	shalt  }
0x7d: {  	_ =	shalt  }
0x7e: {  	_ =	shalt  }
0x7f: {  	_ =	shalt  }
0x80: {  	_ =	shalt  }
0x81: {  	_ =	shalt  }
0x82: {  	_ =	shalt  }
0x83: {  	_ =	shalt  }
0x84: {  	_ =	shalt  }
0x85: {  	_ =	shalt  }
0x86: {  	_ =	shalt  }
0x87: {  	_ =	shalt  }
.Lfunc_end0:
.L_simem_size_0:
called_computation.1_lowered:
.L_overlay_start_0:
0x88: {  	s2 =	sld [smem:$0x3FD9]  }
0x89: {  	s3 =	sld [smem:$0x3FFE];
	_ =	sdelay $0x1  }
0x8a: {  	s1 =	srdreg.scid  }
0x8b: {  	s0 =	sand.u32 $0x1, s1  }
0x8c: {  	s16 =	sshll.u32 s0, $0xA;
	s2 =	sadd.s32 s3, s2  }
0x8d: {  	s2 =	sadd.s32 s2, s16  }
0x8e: {  	[smem:$0x3FC0] =	sst s2  }
0x8f: {  	_ = 	snop  }
0x90: {  	(tm) =	ssettm $0x1  }
0x91: {  	s17 =	sld [smem:$0x3FFB];
	_ =	sdelay $0x3  }
0x92: {  	_ =	strace s17  }
0x93: {  	s2 =	sld [smem:$0x3FFC];
	_ =	sdelay $0x3  }
0x94: {  	_ =	strace s2  }
0x95: {  	s2 =	sld [smem:$0x3FFD];
	_ =	sdelay $0x3  }
0x96: {  	_ =	strace s2  }
0x97: {  	_ =	strace $0x8FFFFFFF  }
0x98: {  	s18 =	sld [smem:$0x3FDB];
	_ =	sdelay $0x1  }
0x99: {  	s19 =	simm.s32 $_scs_section_size  }
0x9a: {  	s4 =	simm.s32 $_size__tile_overlayer_lowered;
	s5 =	simm.s32 $_tile_overlayer_lowered  }
0x9b: {  	s22 =	simm.s32 $0x1BFF;
	s21 =	sshll.u32 s5, $0x1;
	s2 =	sadd.s32 s19, s18  }
0x9c: {  	s6 =	simm.s32 $0x0;
	s20 =	sshll.u32 s4, $0x1;
	s4 =	sadd.s32 s21, s2  }
0x9d: {  	[timem:s6], [sflag:s22] =	dma.local [hbm:s4], s20  }
0x9e: {  	_ =	swait.ge [sflag:s22], s20  }
0x9f: {  	s3 =	ssub.s32 $0x0, s20;
	[sflag:s22] =	ssyncset.done $0x0  }
0xa0: {  	[sflag:s22] =	ssyncadd.s32 s3;
	_ =	sdelay $0x1  }
0xa1: {  	s23 =	simm.s32 $0x1B8B  }
0xa2: {  	_ =	swait.ge [sflag:s23], $0x1  }
0xa3: {  	[sflag:s23] =	ssyncset.done $0x0  }
0xa4: {  	s25 =	simm.s32 $0x1B8E;
	s24 =	sld [smem:$0x3FFE];
	[sflag:s23] =	ssyncadd.s32 $0xFFFFFFFF  }
0xa5: {  	s26 =	simm.s32 $execute0_lowered;
	[smem:$0x3FD2] =	sst s25  }
0xa6: {  	s4 =	sshll.u32 s26, $0x1;
	_ =	strace $0x80000049;
	[dreg:$0x1] =	wrdreg $0xFFFFFFFF  }
0xa7: {  	s28 =	simm.s32 $_size_execute0_lowered;
	s2 =	sadd.s32 s2, s4;
	[dreg:$0x0] =	wrdreg $0x0  }
0xa8: {  	s4 =	sshll.u32 s28, $0x1;
	[dreg:$0x2] =	wrdreg s2  }
0xa9: {  	[dreg:$0x3] =	wrdreg s4  }
0xaa: {  	[dreg:$0x4] =	wrdreg $0xC0  }
0xab: {  	_ =	task [dreg:s6], $0x5FFFF  }
0xac: {  	[dreg:$0x1] =	wrdreg $0xFFFFFFFF  }
0xad: {  	[dreg:$0x0] =	wrdreg $0x60  }
0xae: {  	[dreg:$0x2] =	wrdreg s24  }
0xaf: {  	[dreg:$0x3] =	wrdreg $0x150000  }
0xb0: {  	[dreg:$0x4] =	wrdreg $0x9  }
0xb1: {  	_ =	task.clear_ibuf [dreg:s6], $0x5FFFF;
	_ =	strace $0x90000049  }
0xb2: {  	s29 =	simm.s32 $0x9;
	_ =	strace $0x8000004B  }
0xb3: {  	_ =	swait.ge [sflag:s29], $0x1  }
0xb4: {  	[sflag:s29] =	ssyncadd.s32 $0xFFFFFFFF  }
0xb5: {  	_ =	strace $0x9000004B  }
0xb6: {  	_ =	sfence  }
0xb7: {  	s30 =	sld [smem:$0x0];
	_ =	sdelay $0x2  }
0xb8: {  	s31 =	sshll.u32 s1, $0xD;
	s1 =	sshrl.u32 s1, $0x2  }
0xb9: {  	s3 =	sand.u32 $0x4000, s31;
	s1 =	sadd.s32 s1, s30  }
0xba: {  	s0 =	sor.u32 s3, s0;
	s1 =	sshll.u32 s1, $0x11  }
0xbb: {  	s0 =	sor.u32 s1, s0  }
0xbc: {  	s0 =	sadd.s32 $0x8F2B, s0  }
0xbd: {  	[sflag:s0] =	ssyncadd.remote.s32 $0x1  }
0xbe: {  	_ =	sfence.sel $0xFFFF  }
0xbf: {  	[dreg:$0x0] =	wrdreg $0xFFFFFFFF;
	(pc) =	sbr.abs _section_cstart, $3  }
0xc0: {  	[dreg:$0x1] =	wrdreg $0xFFFFFFFF  }
0xc1: {  	_ =	task.clear_ibuf [dreg:s6], $0x2FFFF;
	_ =	strace $0x9FFFFFFF  }
0xc2: {  	(tm) =	ssettm $0x7FFFFFFF  }
0xc3: {  	_ =	shalt  }
tec
execute0_lowered:
.L_overlay_start_1:
0x0: {  	(tag) =	ssettag $0x1  }
0x1: {  	s0 =	rddreg [dreg:$0x0]  }
0x2: {  	s2 =	rddreg [dreg:$0x1]  }
0x3: {  	s3 =	simm.s32 $0x0;
	s12 =	stileid.u32;
	s4 =	srdreg.scid  }
0x4: {  	s15 =	simm.s32 $0x9;
	s16 =	simm.s32 $0x100;
	s28 =	simm.s32 $0x600  }
0x5: {  	s29 =	simm.s32 $0x11000;
	s30 =	simm.s32 $0x700;
	s31 =	simm.s32 $0x13000  }
0x6: {  	[smem:$0x7FF] =	sst s3;
	s1 =	smul.u32 $0x5000, s12;
	s5 =	sand.u32 $0x1, s4  }
0x7: {  	s10 =	sadd.s32 $0xBA00, s0;
	s11 =	sadd.s32 $0x1C00, s0;
	s4 =	sadd.s32 $0x15800, s0  }
0x8: {  	s24 =	sshll.u32 s12, $0x6;
	_ =	strace $0x8000004A;
	s7 =	smul.u32 $0x50000, s5  }
0x9: {  	s8 =	ssub.s32 $0x2, s5;
	s5 =	sshll.u32 s5, $0x4;
	s6 =	sshrl.u32 s1, $0x3  }
0xa: {  	s9 =	sshrl.u32 s8, $0x1;
	s14 =	sor.u32 s12, s5;
	s5 =	simm.s32 $0x28  }
0xb: {  	s6 =	sadd.s32 s6, s0;
	s7 =	sadd.s32 s1, s7;
	s13 =	ssub.s32 s8, s9  }
0xc: {  	s22 =	smul.u32 $0x27, s14;
	s23 =	smin.u32 s14, $0x2;
	p0 =	slt.u32 s14, $0x2  }
0xd: {  	s1 =	sadd.s32 s1, s2;
	s7 =	sshrl.u32 s7, $0x3;
	s5 =	simm.s32 @!p0 $0x27  }
0xe: {  	s6 =	sadd.s32 $0x1F800, s6;
	s13 =	smax.u32 s13, $0x1;
	p0 =	sgt.u32 s14, $0x1  }
0xf: {  	s14 =	sshrl.u32 s1, $0x3;
	s0 =	sadd.s32 s7, s0;
	s7 =	sadd.s32 s23, s22  }
0x10: {  	s25 =	sshll.u32 s7, $0x5;
	s7 =	sor.u32 $0x1C09, s24;
	s12 =	sadd.s32 $0x29800, s0  }
0x11: {  	s0 =	simm.s32 $0x0;
	s8 =	sadd.s32 s10, s25;
	s26 =	sadd.s32 $0x4E0, s25  }
0x12: {  	s9 =	sadd.s32 s11, s25;
	s10 =	sadd.s32 s10, s26;
	s11 =	sadd.s32 s11, s26  }
.LBB2_1:
0x13: {  	[spmem:s14], [sflag:s7] =	dma.local [hbm:s6], $0xA00  }
0x14: {  	_ =	swait.ge [sflag:s15], $0xA00  }
0x15: {  	[sflag:s15] =	ssyncset.done $0x0  }
0x16: {  	[sflag:s15] =	ssyncadd.s32 $0xFFFFF600  }
0x17: {  	[tilespmem:s3], [sflag:$0x9] =	stream.linear.gather [hbm4b:s8+s3], $0x2700, $0x38;
	[tilespmem:$0x1A000] =	vst v63  }
0x18: {  	_ =	swait.ge [sflag:s15], $0x2700  }
0x19: {  	[sflag:s15] =	ssyncset.done $0x0  }
0x1a: {  	s1 =	simm.s32 @p0 $0x0;
	s17 =	simm.s32 @p0 $0x2800;
	[sflag:s15] =	ssyncadd.s32 $0xFFFFD900  }
0x1b: {  	[tilespmem:s17], [sflag:$0x9] =	stream.linear.gather @p0 [hbm4b:s9+s1], $0x2700, $0x38;
	[tilespmem:$0x1A000] =	vst v63  }
0x1c: {  	s1 =	simm.s32 @p0 $0x9  }
0x1d: {  	_ =	swait.ge @p0 [sflag:s1], $0x2700  }
0x1e: {  	[sflag:s1] =	ssyncset.done @p0 $0x0  }
0x1f: {  	s17 =	simm.s32 @!p0 $0x2700;
	[sflag:s1] =	ssyncadd.s32 @p0 $0xFFFFD900;
	s1 =	simm.s32 @!p0 $0x0  }
0x20: {  	[tilespmem:s17], [sflag:$0x9] =	stream.linear.gather @!p0 [hbm4b:s10+s1], $0x100, $0x38;
	[tilespmem:$0x1A000] =	vst v63  }
0x21: {  	s17 =	simm.s32 @!p0 $0x9  }
0x22: {  	_ =	swait.ge @!p0 [sflag:s17], $0x100  }
0x23: {  	[sflag:s17] =	ssyncset.done @!p0 $0x0  }
0x24: {  	s18 =	simm.s32 @!p0 $0x2800;
	[sflag:s17] =	ssyncadd.s32 @!p0 $0xFFFFFF00  }
0x25: {  	[tilespmem:s18], [sflag:$0x9] =	stream.linear.gather @!p0 [hbm4b:s9+s1], $0x2700, $0x38;
	[tilespmem:$0x1A000] =	vst v63  }
0x26: {  	_ =	swait.ge @!p0 [sflag:s17], $0x2700  }
0x27: {  	[sflag:s17] =	ssyncset.done @!p0 $0x0  }
0x28: {  	s18 =	simm.s32 @!p0 $0x4F00;
	[sflag:s17] =	ssyncadd.s32 @!p0 $0xFFFFD900  }
0x29: {  	[tilespmem:s18], [sflag:$0x9] =	stream.linear.gather @!p0 [hbm4b:s11+s1], $0x100, $0x38;
	[tilespmem:$0x1A000] =	vst v63  }
0x2a: {  	_ =	swait.ge @!p0 [sflag:s17], $0x100  }
0x2b: {  	[sflag:s17] =	ssyncset.done @!p0 $0x0  }
0x2c: {  	[sflag:s17] =	ssyncadd.s32 @!p0 $0xFFFFFF00  }
0x2d: {  	s17 =	simm.s32 $0x5000;
	[bflag:$0x0] =	sbarrier.arrive $0xFFFF  }
0x2e: {  	[tilespmem:s17], [sflag:$0x1] =	stream.indirect.gather [hbm4b:s4+s16], $0x20, s3, s16, $0xb8;
	[tilespmem:$0x1A000] =	vst v63  }
0x2f: {  	s18 =	simm.s32 $0x7000  }
0x30: {  	[tilespmem:s18], [sflag:$0x2] =	stream.indirect.gather [hbm4b:s4+s16], $0x20, s16, s16, $0xb8;
	[tilespmem:$0x1A000] =	vst v63  }
0x31: {  	s19 =	simm.s32 $0x200;
	s20 =	simm.s32 $0x9000  }
0x32: {  	[tilespmem:s20], [sflag:$0x3] =	stream.indirect.gather [hbm4b:s4+s16], $0x20, s19, s16, $0xb8;
	[tilespmem:$0x1A000] =	vst v63  }
0x33: {  	s21 =	simm.s32 $0x300;
	s22 =	simm.s32 $0xB000  }
0x34: {  	[tilespmem:s22], [sflag:$0x4] =	stream.indirect.gather [hbm4b:s4+s16], $0x20, s21, s16, $0xb8;
	[tilespmem:$0x1A000] =	vst v63  }
0x35: {  	s23 =	simm.s32 $0x400;
	s24 =	simm.s32 $0xD000  }
0x36: {  	[tilespmem:s24], [sflag:$0x5] =	stream.indirect.gather [hbm4b:s4+s16], $0x20, s23, s16, $0xb8;
	[tilespmem:$0x1A000] =	vst v63  }
0x37: {  	s25 =	simm.s32 $0x500;
	s26 =	simm.s32 $0xF000;
	p2 =	sne.s32 s5, $0x1  }
0x38: {  	[tilespmem:s26], [sflag:$0x6] =	stream.indirect.gather [hbm4b:s4+s16], $0x20, s25, s16, $0xb8;
	[tilespmem:$0x1A000] =	vst v63  }
.Ltmp0:
0x39: {  	_ = 	snop;
	(pc) =	sbr.rel @!p2 .LBB2_2-.Ltmp0, $4  }
0x3a: {  	p1 =	por $0x0, $0x0;
	s17 =	simm.s32 $0x2800;
	s21 =	sand.u32 $0x7, s3  }
0x3b: {  	[tilespmem:s29], [sflag:$0x7] =	stream.indirect.gather [hbm4b:s4+s16], $0x20, s28, s16, $0xb8;
	[tilespmem:$0x1A000] =	vst v63  }
0x3c: {  	s18 =	simm.s32 $0x1;
	s24 =	simm.s32 $0x800;
	s23 =	sshll.u32 s21, $0xD  }
0x3d: {  	[tilespmem:s31], [sflag:$0x8] =	stream.indirect.gather [hbm4b:s4+s16], $0x20, s30, s16, $0xb8;
	[tilespmem:$0x1A000] =	vst v63  }
0x3e: {  	s19 =	sadd.s32 $0x1, s21  }
0x3f: {  	s20 =	sadd.s32 $0x5000, s23;
	_ =	swait.ge [sflag:s19], $0x2000  }
0x40: {  	s21 =	sand.u32 $0x7, s18;
	p3 =	sne.s32 s5, $0x2;
	[sflag:s19] =	ssyncset.done $0x0  }
.Ltmp1:
0x41: {  	s22 =	simm.s32 $0x2;
	[sflag:s19] =	ssyncadd.s32 $0xFFFFE000;
	(pc) =	sbr.rel @!p3 .LBB2_4-.Ltmp1, $4  }
0x42: {  	[spmem:s2] =	stream.indirect.scatter.add.f32 [tilespmem:s20], [sflag:$0x9], $0x20, s17, s16, $0xb8;
	[tilespmem:$0x1A000] =	vst v63  }
0x43: {  	p2 =	sle.u32 s5, $0x8;
	s1 =	simm.s32 $0x900;
	_ =	swait.ge [sflag:s15], $0x2000  }
0x44: {  	p1 =	por $0x1, $0x1;
	s23 =	sshll.u32 s21, $0xD;
	[sflag:s15] =	ssyncset.done $0x0  }
0x45: {  	s25 =	simm.s32 @!p2 $0x100;
	s17 =	simm.s32 $0x2900;
	[sflag:s15] =	ssyncadd.s32 $0xFFFFE000  }
.LBB2_5:
0x46: {  	[tilespmem:s20], [sflag:s19] =	stream.indirect.gather @!p2 [hbm4b:s4+s25], $0x20, s24, s25, $0xb8;
	[tilespmem:$0x1A000] =	vst v63  }
0x47: {  	s25 =	smov.u32 s22;
	s20 =	smov.u32 s23;
	s24 =	smov.u32 s1  }
0x48: {  	s22 =	sadd.s32 $0x1, s22;
	s19 =	sadd.s32 $0x1, s21;
	s21 =	sand.u32 $0x7, s25  }
0x49: {  	p3 =	sne.s32 s5, s22;
	s23 =	sshll.u32 s21, $0xD;
	_ =	swait.ge [sflag:s19], $0x2000  }
0x4a: {  	[sflag:s19] =	ssyncset.done $0x0  }
.Ltmp2:
0x4b: {  	s20 =	sadd.s32 $0x5000, s20;
	[sflag:s19] =	ssyncadd.s32 $0xFFFFE000;
	(pc) =	sbr.rel @p3 .LBB2_5-.Ltmp2, $4  }
0x4c: {  	[spmem:s2] =	stream.indirect.scatter.add.f32 [tilespmem:s20], [sflag:$0x9], $0x20, s17, s16, $0xb8;
	[tilespmem:$0x1A000] =	vst v63  }
0x4d: {  	s26 =	sadd.s32 $0x8, s18;
	s18 =	smov.u32 s25;
	_ =	swait.ge [sflag:s15], $0x2000  }
0x4e: {  	p2 =	sge.u32 s26, s5;
	s17 =	sadd.s32 $0x100, s17;
	[sflag:s15] =	ssyncset.done $0x0  }
0x4f: {  	s1 =	sadd.s32 $0x100, s1;
	s25 =	simm.s32 @!p2 $0x100;
	[sflag:s15] =	ssyncadd.s32 $0xFFFFE000  }
0x50: {  	s22 =	smov.u32 s24;
	s24 =	smov.u32 s1  }
.LBB2_7:
0x51: {  	p1 =	por p2, !p1;
	s1 =	sadd.s32 $0x1, s21  }
0x52: {  	[tilespmem:s20], [sflag:s19] =	stream.indirect.gather @!p1 [hbm4b:s4+s25], $0x20, s22, s25, $0xb8;
	[tilespmem:$0x1A000] =	vst v63  }
0x53: {  	_ =	swait.ge [sflag:s1], $0x2000  }
0x54: {  	[sflag:s1] =	ssyncset.done $0x0  }
0x55: {  	s19 =	sadd.s32 $0x5000, s23;
	[sflag:s1] =	ssyncadd.s32 $0xFFFFE000  }
0x56: {  	[spmem:s2] =	stream.indirect.scatter.add.f32 [tilespmem:s19], [sflag:$0x9], $0x20, s17, s16, $0xb8;
	[tilespmem:$0x1A000] =	vst v63  }
0x57: {  	s26 =	sadd.s32 $0x8, s18;
	_ =	swait.ge [sflag:s15], $0x2000  }
0x58: {  	p1 =	sge.u32 s26, s5;
	[sflag:s15] =	ssyncset.done $0x0  }
0x59: {  	s0 =	sadd.s32 $0x1, s0;
	s17 =	simm.s32 @!p1 $0x100;
	[sflag:s15] =	ssyncadd.s32 $0xFFFFE000  }
0x5a: {  	[tilespmem:s19], [sflag:s1] =	stream.indirect.gather @!p1 [hbm4b:s4+s17], $0x20, s24, s17, $0xb8;
	[tilespmem:$0x1A000] =	vst v63  }
0x5b: {  	p1 =	sne.s32 s0, s13;
	[bflag:$0x0] =	sbarrier.arrive $0xFFFF  }
0x5c: {  	[hbm:s12], [sflag:s7] =	dma.local [spmem:s14], $0xA00  }
.Ltmp3:
0x5d: {  	_ = 	snop;
	(pc) =	sbr.rel @p1 .LBB2_1-.Ltmp3, $4  }
.Ltmp4:
0x5e: {  	_ = 	snop;
	(pc) =	sbr.rel @!p1 .LBB2_8-.Ltmp4, $4  }
0x5f: {  	_ =	swait.ge [sflag:s15], $0xA00  }
0x60: {  	[sflag:s15] =	ssyncset.done $0x0  }
0x61: {  	[sflag:s15] =	ssyncadd.s32 $0xFFFFF600  }
0x62: {  	_ = 	snop  }
.LBB2_2:
.Ltmp5:
0x63: {  	(pc) =	sbr.rel .LBB2_7-.Ltmp5, $2  }
0x64: {  	_ =	sdelay $0x2  }
0x65: {  	s18 =	simm.s32 $0x0  }
.LBB2_4:
.Ltmp6:
0x66: {  	(pc) =	sbr.rel .LBB2_7-.Ltmp6, $2  }
0x67: {  	_ =	sdelay $0x2  }
0x68: {  	s22 =	simm.s32 $0x800;
	s24 =	simm.s32 $0x900  }
.LBB2_8:
0x69: {  	_ =	sfence.sel $0x180000  }
0x6a: {  	[bflag:$0x0] =	sbarrier.arrive $0xFFFF  }
0x6b: {  	_ =	strace $0x9000004A  }
0x6c: {  	s0 =	stileid.u32;
	[bflag:$0x2] =	sbarrier.arrive $0xFFFF  }
0x6d: {  	p0 =	sne.s32 s0, $0x0;
	s0 =	rddreg [dreg:$0x2]  }
0x6e: {  	s0 =	sadd.s32 @!p0 $0x100000, s0  }
0x6f: {  	[sflag:s0] =	ssyncadd.tile.s32 @!p0 $0x1;
	_ =	shalt  }
.Lfunc_end2:
_tile_overlayer_lowered:
.L_overlay_start_2:
0x70: {  	(tag) =	ssettag $0x2  }
0x71: {  	s0 =	rddreg [dreg:$0x0];
	s2 =	stileid.u32  }
0x72: {  	s1 =	rddreg [dreg:$0x1];
	p0 =	sne.s32 s2, $0x0  }
0x73: {  	s3 =	rddreg [dreg:$0x2];
	[bflag:$0x3] =	sbarrier.arrive $0xFFFF;
	s2 =	simm.s32 @!p0 $0x1C09  }
0x74: {  	[timem:s3], [sflag:s2] =	dma.local @!p0 [hbm:s0], s1  }
0x75: {  	s0 =	simm.s32 @!p0 $0x9  }
0x76: {  	_ =	swait.ge @!p0 [sflag:s0], s1  }
0x77: {  	s1 =	ssub.s32 @!p0 $0x0, s1;
	[sflag:s0] =	ssyncset.done @!p0 $0x0  }
0x78: {  	[sflag:s0] =	ssyncadd.s32 @!p0 s1  }
0x79: {  	[bflag:$0x3] =	sbarrier.arrive $0xFFFF  }
0x7a: {  	_ =	shalt  }

// kernel: kernel.15.cloned.1.call-start
scs
__scs_entry_jumppad:
0x0: {  	(pc) =	sbr.rel $0x88, $3  }
0x1: {  	(tag) =	ssettag $0x0;
	lr =	simm.s32 $0x1  }
0x2: {  	[smem:$0x3F99] =	sst lr;
	_ =	strace $0xD0000000  }
0x3: {  	_ = 	snop  }
0x4: {  	_ = 	snop  }
0x5: {  	_ = 	snop  }
0x6: {  	_ = 	snop  }
0x7: {  	_ = 	snop  }
__scs_overlays_trampoline_lowered:
0x8: {  	[smem:$0x3FA8] =	sst s0  }
0x9: {  	[smem:$0x3FA9] =	sst s1  }
0xa: {  	[smem:$0x3FAA] =	sst s2  }
0xb: {  	[smem:$0x3FAB] =	sst s3  }
0xc: {  	[smem:$0x3FAC] =	sst s4  }
0xd: {  	[smem:$0x3FAD] =	sst s5  }
0xe: {  	[smem:$0x3FAE] =	sst s6  }
0xf: {  	[smem:$0x3FAF] =	sst s7  }
0x10: {  	[smem:$0x3FB0] =	sst s8  }
0x11: {  	[smem:$0x3FB1] =	sst s9;
	s0 =	simm.s32 @!p0 $0x0  }
0x12: {  	s1 =	sld [smem:$0x3F97];
	s0 =	simm.s32 @p0 $0x1  }
0x13: {  	[smem:$0x3FB2] =	sst s0;
	s0 =	simm.s32 @!p1 $0x0  }
0x14: {  	s2 =	sld [smem:$0x3F96];
	s0 =	simm.s32 @p1 $0x1  }
0x15: {  	[smem:$0x3FB3] =	sst s0;
	s0 =	simm.s32 @!p2 $0x0  }
0x16: {  	s3 =	sld [smem:$0x3FDB];
	s0 =	simm.s32 @p2 $0x1  }
0x17: {  	s4 =	simm.s32 $0x1BF5;
	[smem:$0x3FB5] =	sst s0  }
0x18: {  	s0 =	sld [smem:$0x3F98];
	_ =	swait.ge [sflag:s4], $0x0  }
0x19: {  	s7 =	sld [smem:$0x3F99]  }
0x1a: {  	s8 =	sadd.s32 $0xFFFFE003, lr  }
0x1b: {  	s9 =	sadd.s32 $0xFFFFFEF7, lr;
	s5 =	simm.s32 $0xFFFFFFFF;
	p2 =	slt.u32 s8, $0xFFFFF086  }
0x1c: {  	p1 =	slt.u32 s9, $0xF7A;
	s5 =	simm.s32 @!p2 $0x0  }
0x1d: {  	s5 =	simm.s32 @p1 $0x1;
	p0 =	seq.s32 s7, s2  }
0x1e: {  	s7 =	smul.u32 @!p0 $0xF7A, s2;
	p2 =	seq.s32 @!p0 s5, $0x0  }
0x1f: {  	s9 =	smul.u32 $0xF7A, s1;
	s8 =	simm.s32 @!p0 $0x1BF5;
	p2 =	por !p2, p0  }
0x20: {  	[sflag:s8] =	ssyncset.s32 @!p0 $0xFFFFF086;
	s6 =	sadd.s32 @!p0 s3, s7;
	s7 =	simm.s32 @!p0 $0x108  }
0x21: {  	s3 =	sadd.s32 s3, s9;
	s6 =	sadd.s32 @!p0 $0x88, s6;
	s7 =	simm.s32 @p2 $0x1082  }
0x22: {  	[simem:s7], [sflag:s8] =	dma.local @!p0 [hbm:s6], $0xF7A  }
0x23: {  	s9 =	sor.u32 $0xD0000000, s2;
	s6 =	simm.s32 $0x108;
	_ =	swait.ge @!p0 [sflag:s8], $0x0  }
0x24: {  	s3 =	sadd.s32 $0x88, s3;
	s6 =	simm.s32 @!p1 $0x1082;
	[sflag:s4] =	ssyncset.s32 $0xFFFFF086  }
0x25: {  	[simem:s6], [sflag:s4] =	dma.local [hbm:s3], $0xF7A  }
0x26: {  	[smem:$0x3F99] =	sst s1;
	(tag) =	ssettag s2;
	_ =	strace s9  }
0x27: {  	s1 =	sld [smem:$0x3FA9]  }
0x28: {  	s2 =	sld [smem:$0x3FAA]  }
0x29: {  	s4 =	sld [smem:$0x3FAC]  }
0x2a: {  	p0 =	seq.s32 s5, $0x0;
	s5 =	sld [smem:$0x3FAD]  }
0x2b: {  	s6 =	sld [smem:$0x3FAE]  }
0x2c: {  	s7 =	sld [smem:$0x3FAF]  }
0x2d: {  	s3 =	simm.s32 $0x108;
	s8 =	sld [smem:$0x3FB0]  }
0x2e: {  	s3 =	simm.s32 @!p0 $0x1082;
	s9 =	sld [smem:$0x3FB1]  }
0x2f: {  	lr =	sadd.s32 s0, s3;
	s0 =	sld [smem:$0x3FA8]  }
0x30: {  	s3 =	sld [smem:$0x3FAB]  }
0x31: {  	[smem:$0x3FB4] =	sst s10  }
0x32: {  	s10 =	sld [smem:$0x3FB2];
	_ =	sdelay $0x3  }
0x33: {  	p0 =	seq.s32 s10, $0x1;
	s10 =	sld [smem:$0x3FB4];
	_ =	sdelay $0x3  }
0x34: {  	[smem:$0x3FB4] =	sst s10  }
0x35: {  	s10 =	sld [smem:$0x3FB3];
	_ =	sdelay $0x3  }
0x36: {  	p1 =	seq.s32 s10, $0x1;
	s10 =	sld [smem:$0x3FB4];
	_ =	sdelay $0x3  }
0x37: {  	[smem:$0x3FB4] =	sst s10  }
0x38: {  	s10 =	sld [smem:$0x3FB5]  }
0x39: {  	_ = 	snop;
	(pc) =	sbr.ind lr, $3  }
0x3a: {  	_ = 	snop  }
0x3b: {  	_ = 	snop  }
0x3c: {  	p2 =	seq.s32 s10, $0x1;
	s10 =	sld [smem:$0x3FB4]  }
0x3d: {  	_ =	shalt  }
0x3e: {  	_ =	shalt  }
0x3f: {  	_ =	shalt  }
0x40: {  	_ =	shalt  }
0x41: {  	_ =	shalt  }
0x42: {  	_ =	shalt  }
0x43: {  	_ =	shalt  }
0x44: {  	_ =	shalt  }
0x45: {  	_ =	shalt  }
0x46: {  	_ =	shalt  }
0x47: {  	_ =	shalt  }
0x48: {  	_ =	shalt  }
0x49: {  	_ =	shalt  }
0x4a: {  	_ =	shalt  }
0x4b: {  	_ =	shalt  }
0x4c: {  	_ =	shalt  }
0x4d: {  	_ =	shalt  }
0x4e: {  	_ =	shalt  }
0x4f: {  	_ =	shalt  }
0x50: {  	_ =	shalt  }
0x51: {  	_ =	shalt  }
0x52: {  	_ =	shalt  }
0x53: {  	_ =	shalt  }
0x54: {  	_ =	shalt  }
0x55: {  	_ =	shalt  }
0x56: {  	_ =	shalt  }
0x57: {  	_ =	shalt  }
0x58: {  	_ =	shalt  }
0x59: {  	_ =	shalt  }
0x5a: {  	_ =	shalt  }
0x5b: {  	_ =	shalt  }
0x5c: {  	_ =	shalt  }
0x5d: {  	_ =	shalt  }
0x5e: {  	_ =	shalt  }
0x5f: {  	_ =	shalt  }
0x60: {  	_ =	shalt  }
0x61: {  	_ =	shalt  }
0x62: {  	_ =	shalt  }
0x63: {  	_ =	shalt  }
0x64: {  	_ =	shalt  }
0x65: {  	_ =	shalt  }
0x66: {  	_ =	shalt  }
0x67: {  	_ =	shalt  }
0x68: {  	_ =	shalt  }
0x69: {  	_ =	shalt  }
0x6a: {  	_ =	shalt  }
0x6b: {  	_ =	shalt  }
0x6c: {  	_ =	shalt  }
0x6d: {  	_ =	shalt  }
0x6e: {  	_ =	shalt  }
0x6f: {  	_ =	shalt  }
0x70: {  	_ =	shalt  }
0x71: {  	_ =	shalt  }
0x72: {  	_ =	shalt  }
0x73: {  	_ =	shalt  }
0x74: {  	_ =	shalt  }
0x75: {  	_ =	shalt  }
0x76: {  	_ =	shalt  }
0x77: {  	_ =	shalt  }
0x78: {  	_ =	shalt  }
0x79: {  	_ =	shalt  }
0x7a: {  	_ =	shalt  }
0x7b: {  	_ =	shalt  }
0x7c: {  	_ =	shalt  }
0x7d: {  	_ =	shalt  }
0x7e: {  	_ =	shalt  }
0x7f: {  	_ =	shalt  }
0x80: {  	_ =	shalt  }
0x81: {  	_ =	shalt  }
0x82: {  	_ =	shalt  }
0x83: {  	_ =	shalt  }
0x84: {  	_ =	shalt  }
0x85: {  	_ =	shalt  }
0x86: {  	_ =	shalt  }
0x87: {  	_ =	shalt  }
.Lfunc_end0:
.L_simem_size_0:
called_computation.2_lowered:
.L_overlay_start_0:
0x88: {  	s2 =	sld [smem:$0x3FD9]  }
0x89: {  	s3 =	sld [smem:$0x3FFE];
	_ =	sdelay $0x1  }
0x8a: {  	s1 =	srdreg.scid  }
0x8b: {  	s0 =	sand.u32 $0x1, s1  }
0x8c: {  	s16 =	sshll.u32 s0, $0xA;
	s2 =	sadd.s32 s3, s2  }
0x8d: {  	s2 =	sadd.s32 s2, s16  }
0x8e: {  	[smem:$0x3FC0] =	sst s2  }
0x8f: {  	_ = 	snop  }
0x90: {  	(tm) =	ssettm $0x1  }
0x91: {  	s17 =	sld [smem:$0x3FFB];
	_ =	sdelay $0x3  }
0x92: {  	_ =	strace s17  }
0x93: {  	s2 =	sld [smem:$0x3FFC];
	_ =	sdelay $0x3  }
0x94: {  	_ =	strace s2  }
0x95: {  	s2 =	sld [smem:$0x3FFD];
	_ =	sdelay $0x3  }
0x96: {  	_ =	strace s2  }
0x97: {  	_ =	strace $0x8FFFFFFF  }
0x98: {  	s18 =	sld [smem:$0x3FDB];
	_ =	sdelay $0x1  }
0x99: {  	s19 =	simm.s32 $_scs_section_size  }
0x9a: {  	s4 =	simm.s32 $_size__tile_overlayer_lowered;
	s5 =	simm.s32 $_tile_overlayer_lowered  }
0x9b: {  	s22 =	simm.s32 $0x1BFF;
	s21 =	sshll.u32 s5, $0x1;
	s2 =	sadd.s32 s19, s18  }
0x9c: {  	s6 =	simm.s32 $0x0;
	s20 =	sshll.u32 s4, $0x1;
	s4 =	sadd.s32 s21, s2  }
0x9d: {  	[timem:s6], [sflag:s22] =	dma.local [hbm:s4], s20  }
0x9e: {  	_ =	swait.ge [sflag:s22], s20  }
0x9f: {  	s3 =	ssub.s32 $0x0, s20;
	[sflag:s22] =	ssyncset.done $0x0  }
0xa0: {  	[sflag:s22] =	ssyncadd.s32 s3;
	_ =	sdelay $0x1  }
0xa1: {  	s23 =	simm.s32 $0x1B8B  }
0xa2: {  	_ =	swait.ge [sflag:s23], $0x1  }
0xa3: {  	[sflag:s23] =	ssyncset.done $0x0  }
0xa4: {  	s25 =	simm.s32 $0x1B8E;
	s24 =	sld [smem:$0x3FFE];
	[sflag:s23] =	ssyncadd.s32 $0xFFFFFFFF  }
0xa5: {  	s26 =	simm.s32 $execute0_lowered;
	[smem:$0x3FD2] =	sst s25  }
0xa6: {  	s4 =	sshll.u32 s26, $0x1;
	_ =	strace $0x8000004C;
	[dreg:$0x1] =	wrdreg $0xFFFFFFFF  }
0xa7: {  	s28 =	simm.s32 $_size_execute0_lowered;
	s2 =	sadd.s32 s2, s4;
	[dreg:$0x0] =	wrdreg $0x0  }
0xa8: {  	s4 =	sshll.u32 s28, $0x1;
	[dreg:$0x2] =	wrdreg s2  }
0xa9: {  	[dreg:$0x3] =	wrdreg s4  }
0xaa: {  	[dreg:$0x4] =	wrdreg $0xC0  }
0xab: {  	_ =	task [dreg:s6], $0x5FFFF  }
0xac: {  	[dreg:$0x1] =	wrdreg $0xFFFFFFFF  }
0xad: {  	[dreg:$0x0] =	wrdreg $0x60  }
0xae: {  	[dreg:$0x2] =	wrdreg s24  }
0xaf: {  	[dreg:$0x3] =	wrdreg $0x150000  }
0xb0: {  	[dreg:$0x4] =	wrdreg $0x9  }
0xb1: {  	_ =	task.clear_ibuf [dreg:s6], $0x5FFFF;
	_ =	strace $0x9000004C  }
0xb2: {  	s29 =	simm.s32 $0x9;
	_ =	strace $0x8000004E  }
0xb3: {  	_ =	swait.ge [sflag:s29], $0x1  }
0xb4: {  	[sflag:s29] =	ssyncadd.s32 $0xFFFFFFFF  }
0xb5: {  	_ =	strace $0x9000004E  }
0xb6: {  	_ =	sfence  }
0xb7: {  	s30 =	sld [smem:$0x0];
	_ =	sdelay $0x2  }
0xb8: {  	s31 =	sshll.u32 s1, $0xD;
	s1 =	sshrl.u32 s1, $0x2  }
0xb9: {  	s3 =	sand.u32 $0x4000, s31;
	s1 =	sadd.s32 s1, s30  }
0xba: {  	s0 =	sor.u32 s3, s0;
	s1 =	sshll.u32 s1, $0x11  }
0xbb: {  	s0 =	sor.u32 s1, s0  }
0xbc: {  	s0 =	sadd.s32 $0x8F2B, s0  }
0xbd: {  	[sflag:s0] =	ssyncadd.remote.s32 $0x1  }
0xbe: {  	_ =	sfence.sel $0xFFFF  }
0xbf: {  	[dreg:$0x0] =	wrdreg $0xFFFFFFFF;
	(pc) =	sbr.abs _section_cstart, $3  }
0xc0: {  	[dreg:$0x1] =	wrdreg $0xFFFFFFFF  }
0xc1: {  	_ =	task.clear_ibuf [dreg:s6], $0x2FFFF;
	_ =	strace $0x9FFFFFFF  }
0xc2: {  	(tm) =	ssettm $0x7FFFFFFF  }
0xc3: {  	_ =	shalt  }
tec
execute0_lowered:
.L_overlay_start_1:
0x0: {  	(tag) =	ssettag $0x1  }
0x1: {  	s0 =	rddreg [dreg:$0x0]  }
0x2: {  	s2 =	rddreg [dreg:$0x1]  }
0x3: {  	s3 =	simm.s32 $0x0;
	s12 =	stileid.u32;
	s4 =	srdreg.scid  }
0x4: {  	s15 =	simm.s32 $0x9;
	s16 =	simm.s32 $0x100;
	s28 =	simm.s32 $0x600  }
0x5: {  	s29 =	simm.s32 $0x11000;
	s30 =	simm.s32 $0x700;
	s31 =	simm.s32 $0x13000  }
0x6: {  	[smem:$0x7FF] =	sst s3;
	s1 =	smul.u32 $0x5000, s12;
	s5 =	sand.u32 $0x1, s4  }
0x7: {  	s10 =	sadd.s32 $0xBA00, s0;
	s11 =	sadd.s32 $0x1C00, s0;
	s4 =	sadd.s32 $0x15800, s0  }
0x8: {  	s24 =	sshll.u32 s12, $0x6;
	_ =	strace $0x8000004D;
	s7 =	smul.u32 $0x50000, s5  }
0x9: {  	s8 =	ssub.s32 $0x2, s5;
	s5 =	sshll.u32 s5, $0x4;
	s6 =	sshrl.u32 s1, $0x3  }
0xa: {  	s9 =	sshrl.u32 s8, $0x1;
	s14 =	sor.u32 s12, s5;
	s5 =	simm.s32 $0x28  }
0xb: {  	s6 =	sadd.s32 s6, s0;
	s7 =	sadd.s32 s1, s7;
	s13 =	ssub.s32 s8, s9  }
0xc: {  	s22 =	smul.u32 $0x27, s14;
	s23 =	smin.u32 s14, $0x2;
	p0 =	slt.u32 s14, $0x2  }
0xd: {  	s1 =	sadd.s32 s1, s2;
	s7 =	sshrl.u32 s7, $0x3;
	s5 =	simm.s32 @!p0 $0x27  }
0xe: {  	s6 =	sadd.s32 $0x1F800, s6;
	s13 =	smax.u32 s13, $0x1;
	p0 =	sgt.u32 s14, $0x1  }
0xf: {  	s14 =	sshrl.u32 s1, $0x3;
	s0 =	sadd.s32 s7, s0;
	s7 =	sadd.s32 s23, s22  }
0x10: {  	s25 =	sshll.u32 s7, $0x5;
	s7 =	sor.u32 $0x1C09, s24;
	s12 =	sadd.s32 $0x29800, s0  }
0x11: {  	s0 =	simm.s32 $0x0;
	s8 =	sadd.s32 s10, s25;
	s26 =	sadd.s32 $0x4E0, s25  }
0x12: {  	s9 =	sadd.s32 s11, s25;
	s10 =	sadd.s32 s10, s26;
	s11 =	sadd.s32 s11, s26  }
.LBB2_1:
0x13: {  	[spmem:s14], [sflag:s7] =	dma.local [hbm:s6], $0xA00  }
0x14: {  	_ =	swait.ge [sflag:s15], $0xA00  }
0x15: {  	[sflag:s15] =	ssyncset.done $0x0  }
0x16: {  	[sflag:s15] =	ssyncadd.s32 $0xFFFFF600  }
0x17: {  	[tilespmem:s3], [sflag:$0x9] =	stream.linear.gather [hbm4b:s8+s3], $0x2700, $0x38;
	[tilespmem:$0x1A000] =	vst v63  }
0x18: {  	_ =	swait.ge [sflag:s15], $0x2700  }
0x19: {  	[sflag:s15] =	ssyncset.done $0x0  }
0x1a: {  	s1 =	simm.s32 @p0 $0x0;
	s17 =	simm.s32 @p0 $0x2800;
	[sflag:s15] =	ssyncadd.s32 $0xFFFFD900  }
0x1b: {  	[tilespmem:s17], [sflag:$0x9] =	stream.linear.gather @p0 [hbm4b:s9+s1], $0x2700, $0x38;
	[tilespmem:$0x1A000] =	vst v63  }
0x1c: {  	s1 =	simm.s32 @p0 $0x9  }
0x1d: {  	_ =	swait.ge @p0 [sflag:s1], $0x2700  }
0x1e: {  	[sflag:s1] =	ssyncset.done @p0 $0x0  }
0x1f: {  	s17 =	simm.s32 @!p0 $0x2700;
	[sflag:s1] =	ssyncadd.s32 @p0 $0xFFFFD900;
	s1 =	simm.s32 @!p0 $0x0  }
0x20: {  	[tilespmem:s17], [sflag:$0x9] =	stream.linear.gather @!p0 [hbm4b:s10+s1], $0x100, $0x38;
	[tilespmem:$0x1A000] =	vst v63  }
0x21: {  	s17 =	simm.s32 @!p0 $0x9  }
0x22: {  	_ =	swait.ge @!p0 [sflag:s17], $0x100  }
0x23: {  	[sflag:s17] =	ssyncset.done @!p0 $0x0  }
0x24: {  	s18 =	simm.s32 @!p0 $0x2800;
	[sflag:s17] =	ssyncadd.s32 @!p0 $0xFFFFFF00  }
0x25: {  	[tilespmem:s18], [sflag:$0x9] =	stream.linear.gather @!p0 [hbm4b:s9+s1], $0x2700, $0x38;
	[tilespmem:$0x1A000] =	vst v63  }
0x26: {  	_ =	swait.ge @!p0 [sflag:s17], $0x2700  }
0x27: {  	[sflag:s17] =	ssyncset.done @!p0 $0x0  }
0x28: {  	s18 =	simm.s32 @!p0 $0x4F00;
	[sflag:s17] =	ssyncadd.s32 @!p0 $0xFFFFD900  }
0x29: {  	[tilespmem:s18], [sflag:$0x9] =	stream.linear.gather @!p0 [hbm4b:s11+s1], $0x100, $0x38;
	[tilespmem:$0x1A000] =	vst v63  }
0x2a: {  	_ =	swait.ge @!p0 [sflag:s17], $0x100  }
0x2b: {  	[sflag:s17] =	ssyncset.done @!p0 $0x0  }
0x2c: {  	[sflag:s17] =	ssyncadd.s32 @!p0 $0xFFFFFF00  }
0x2d: {  	s17 =	simm.s32 $0x5000;
	[bflag:$0x0] =	sbarrier.arrive $0xFFFF  }
0x2e: {  	[tilespmem:s17], [sflag:$0x1] =	stream.indirect.gather [hbm4b:s4+s16], $0x20, s3, s16, $0xb8;
	[tilespmem:$0x1A000] =	vst v63  }
0x2f: {  	s18 =	simm.s32 $0x7000  }
0x30: {  	[tilespmem:s18], [sflag:$0x2] =	stream.indirect.gather [hbm4b:s4+s16], $0x20, s16, s16, $0xb8;
	[tilespmem:$0x1A000] =	vst v63  }
0x31: {  	s19 =	simm.s32 $0x200;
	s20 =	simm.s32 $0x9000  }
0x32: {  	[tilespmem:s20], [sflag:$0x3] =	stream.indirect.gather [hbm4b:s4+s16], $0x20, s19, s16, $0xb8;
	[tilespmem:$0x1A000] =	vst v63  }
0x33: {  	s21 =	simm.s32 $0x300;
	s22 =	simm.s32 $0xB000  }
0x34: {  	[tilespmem:s22], [sflag:$0x4] =	stream.indirect.gather [hbm4b:s4+s16], $0x20, s21, s16, $0xb8;
	[tilespmem:$0x1A000] =	vst v63  }
0x35: {  	s23 =	simm.s32 $0x400;
	s24 =	simm.s32 $0xD000  }
0x36: {  	[tilespmem:s24], [sflag:$0x5] =	stream.indirect.gather [hbm4b:s4+s16], $0x20, s23, s16, $0xb8;
	[tilespmem:$0x1A000] =	vst v63  }
0x37: {  	s25 =	simm.s32 $0x500;
	s26 =	simm.s32 $0xF000;
	p2 =	sne.s32 s5, $0x1  }
0x38: {  	[tilespmem:s26], [sflag:$0x6] =	stream.indirect.gather [hbm4b:s4+s16], $0x20, s25, s16, $0xb8;
	[tilespmem:$0x1A000] =	vst v63  }
.Ltmp0:
0x39: {  	_ = 	snop;
	(pc) =	sbr.rel @!p2 .LBB2_2-.Ltmp0, $4  }
0x3a: {  	p1 =	por $0x0, $0x0;
	s17 =	simm.s32 $0x2800;
	s21 =	sand.u32 $0x7, s3  }
0x3b: {  	[tilespmem:s29], [sflag:$0x7] =	stream.indirect.gather [hbm4b:s4+s16], $0x20, s28, s16, $0xb8;
	[tilespmem:$0x1A000] =	vst v63  }
0x3c: {  	s18 =	simm.s32 $0x1;
	s24 =	simm.s32 $0x800;
	s23 =	sshll.u32 s21, $0xD  }
0x3d: {  	[tilespmem:s31], [sflag:$0x8] =	stream.indirect.gather [hbm4b:s4+s16], $0x20, s30, s16, $0xb8;
	[tilespmem:$0x1A000] =	vst v63  }
0x3e: {  	s19 =	sadd.s32 $0x1, s21  }
0x3f: {  	s20 =	sadd.s32 $0x5000, s23;
	_ =	swait.ge [sflag:s19], $0x2000  }
0x40: {  	s21 =	sand.u32 $0x7, s18;
	p3 =	sne.s32 s5, $0x2;
	[sflag:s19] =	ssyncset.done $0x0  }
.Ltmp1:
0x41: {  	s22 =	simm.s32 $0x2;
	[sflag:s19] =	ssyncadd.s32 $0xFFFFE000;
	(pc) =	sbr.rel @!p3 .LBB2_4-.Ltmp1, $4  }
0x42: {  	[spmem:s2] =	stream.indirect.scatter.add.f32 [tilespmem:s20], [sflag:$0x9], $0x20, s17, s16, $0xb8;
	[tilespmem:$0x1A000] =	vst v63  }
0x43: {  	p2 =	sle.u32 s5, $0x8;
	s1 =	simm.s32 $0x900;
	_ =	swait.ge [sflag:s15], $0x2000  }
0x44: {  	p1 =	por $0x1, $0x1;
	s23 =	sshll.u32 s21, $0xD;
	[sflag:s15] =	ssyncset.done $0x0  }
0x45: {  	s25 =	simm.s32 @!p2 $0x100;
	s17 =	simm.s32 $0x2900;
	[sflag:s15] =	ssyncadd.s32 $0xFFFFE000  }
.LBB2_5:
0x46: {  	[tilespmem:s20], [sflag:s19] =	stream.indirect.gather @!p2 [hbm4b:s4+s25], $0x20, s24, s25, $0xb8;
	[tilespmem:$0x1A000] =	vst v63  }
0x47: {  	s25 =	smov.u32 s22;
	s20 =	smov.u32 s23;
	s24 =	smov.u32 s1  }
0x48: {  	s22 =	sadd.s32 $0x1, s22;
	s19 =	sadd.s32 $0x1, s21;
	s21 =	sand.u32 $0x7, s25  }
0x49: {  	p3 =	sne.s32 s5, s22;
	s23 =	sshll.u32 s21, $0xD;
	_ =	swait.ge [sflag:s19], $0x2000  }
0x4a: {  	[sflag:s19] =	ssyncset.done $0x0  }
.Ltmp2:
0x4b: {  	s20 =	sadd.s32 $0x5000, s20;
	[sflag:s19] =	ssyncadd.s32 $0xFFFFE000;
	(pc) =	sbr.rel @p3 .LBB2_5-.Ltmp2, $4  }
0x4c: {  	[spmem:s2] =	stream.indirect.scatter.add.f32 [tilespmem:s20], [sflag:$0x9], $0x20, s17, s16, $0xb8;
	[tilespmem:$0x1A000] =	vst v63  }
0x4d: {  	s26 =	sadd.s32 $0x8, s18;
	s18 =	smov.u32 s25;
	_ =	swait.ge [sflag:s15], $0x2000  }
0x4e: {  	p2 =	sge.u32 s26, s5;
	s17 =	sadd.s32 $0x100, s17;
	[sflag:s15] =	ssyncset.done $0x0  }
0x4f: {  	s1 =	sadd.s32 $0x100, s1;
	s25 =	simm.s32 @!p2 $0x100;
	[sflag:s15] =	ssyncadd.s32 $0xFFFFE000  }
0x50: {  	s22 =	smov.u32 s24;
	s24 =	smov.u32 s1  }
.LBB2_7:
0x51: {  	p1 =	por p2, !p1;
	s1 =	sadd.s32 $0x1, s21  }
0x52: {  	[tilespmem:s20], [sflag:s19] =	stream.indirect.gather @!p1 [hbm4b:s4+s25], $0x20, s22, s25, $0xb8;
	[tilespmem:$0x1A000] =	vst v63  }
0x53: {  	_ =	swait.ge [sflag:s1], $0x2000  }
0x54: {  	[sflag:s1] =	ssyncset.done $0x0  }
0x55: {  	s19 =	sadd.s32 $0x5000, s23;
	[sflag:s1] =	ssyncadd.s32 $0xFFFFE000  }
0x56: {  	[spmem:s2] =	stream.indirect.scatter.add.f32 [tilespmem:s19], [sflag:$0x9], $0x20, s17, s16, $0xb8;
	[tilespmem:$0x1A000] =	vst v63  }
0x57: {  	s26 =	sadd.s32 $0x8, s18;
	_ =	swait.ge [sflag:s15], $0x2000  }
0x58: {  	p1 =	sge.u32 s26, s5;
	[sflag:s15] =	ssyncset.done $0x0  }
0x59: {  	s0 =	sadd.s32 $0x1, s0;
	s17 =	simm.s32 @!p1 $0x100;
	[sflag:s15] =	ssyncadd.s32 $0xFFFFE000  }
0x5a: {  	[tilespmem:s19], [sflag:s1] =	stream.indirect.gather @!p1 [hbm4b:s4+s17], $0x20, s24, s17, $0xb8;
	[tilespmem:$0x1A000] =	vst v63  }
0x5b: {  	p1 =	sne.s32 s0, s13;
	[bflag:$0x0] =	sbarrier.arrive $0xFFFF  }
0x5c: {  	[hbm:s12], [sflag:s7] =	dma.local [spmem:s14], $0xA00  }
.Ltmp3:
0x5d: {  	_ = 	snop;
	(pc) =	sbr.rel @p1 .LBB2_1-.Ltmp3, $4  }
.Ltmp4:
0x5e: {  	_ = 	snop;
	(pc) =	sbr.rel @!p1 .LBB2_8-.Ltmp4, $4  }
0x5f: {  	_ =	swait.ge [sflag:s15], $0xA00  }
0x60: {  	[sflag:s15] =	ssyncset.done $0x0  }
0x61: {  	[sflag:s15] =	ssyncadd.s32 $0xFFFFF600  }
0x62: {  	_ = 	snop  }
.LBB2_2:
.Ltmp5:
0x63: {  	(pc) =	sbr.rel .LBB2_7-.Ltmp5, $2  }
0x64: {  	_ =	sdelay $0x2  }
0x65: {  	s18 =	simm.s32 $0x0  }
.LBB2_4:
.Ltmp6:
0x66: {  	(pc) =	sbr.rel .LBB2_7-.Ltmp6, $2  }
0x67: {  	_ =	sdelay $0x2  }
0x68: {  	s22 =	simm.s32 $0x800;
	s24 =	simm.s32 $0x900  }
.LBB2_8:
0x69: {  	_ =	sfence.sel $0x180000  }
0x6a: {  	[bflag:$0x0] =	sbarrier.arrive $0xFFFF  }
0x6b: {  	_ =	strace $0x9000004D  }
0x6c: {  	s0 =	stileid.u32;
	[bflag:$0x2] =	sbarrier.arrive $0xFFFF  }
0x6d: {  	p0 =	sne.s32 s0, $0x0;
	s0 =	rddreg [dreg:$0x2]  }
0x6e: {  	s0 =	sadd.s32 @!p0 $0x100000, s0  }
0x6f: {  	[sflag:s0] =	ssyncadd.tile.s32 @!p0 $0x1;
	_ =	shalt  }
.Lfunc_end2:
_tile_overlayer_lowered:
.L_overlay_start_2:
0x70: {  	(tag) =	ssettag $0x2  }
0x71: {  	s0 =	rddreg [dreg:$0x0];
	s2 =	stileid.u32  }
0x72: {  	s1 =	rddreg [dreg:$0x1];
	p0 =	sne.s32 s2, $0x0  }
0x73: {  	s3 =	rddreg [dreg:$0x2];
	[bflag:$0x3] =	sbarrier.arrive $0xFFFF;
	s2 =	simm.s32 @!p0 $0x1C09  }
0x74: {  	[timem:s3], [sflag:s2] =	dma.local @!p0 [hbm:s0], s1  }
0x75: {  	s0 =	simm.s32 @!p0 $0x9  }
0x76: {  	_ =	swait.ge @!p0 [sflag:s0], s1  }
0x77: {  	s1 =	ssub.s32 @!p0 $0x0, s1;
	[sflag:s0] =	ssyncset.done @!p0 $0x0  }
0x78: {  	[sflag:s0] =	ssyncadd.s32 @!p0 s1  }
0x79: {  	[bflag:$0x3] =	sbarrier.arrive $0xFFFF  }
0x7a: {  	_ =	shalt  }

// kernel: kernel.9.cloned.1.call-start
scs
__scs_entry_jumppad:
0x0: {  	(pc) =	sbr.rel $0x88, $3  }
0x1: {  	(tag) =	ssettag $0x0;
	lr =	simm.s32 $0x1  }
0x2: {  	[smem:$0x3F99] =	sst lr;
	_ =	strace $0xD0000000  }
0x3: {  	_ = 	snop  }
0x4: {  	_ = 	snop  }
0x5: {  	_ = 	snop  }
0x6: {  	_ = 	snop  }
0x7: {  	_ = 	snop  }
__scs_overlays_trampoline_lowered:
0x8: {  	[smem:$0x3FA8] =	sst s0  }
0x9: {  	[smem:$0x3FA9] =	sst s1  }
0xa: {  	[smem:$0x3FAA] =	sst s2  }
0xb: {  	[smem:$0x3FAB] =	sst s3  }
0xc: {  	[smem:$0x3FAC] =	sst s4  }
0xd: {  	[smem:$0x3FAD] =	sst s5  }
0xe: {  	[smem:$0x3FAE] =	sst s6  }
0xf: {  	[smem:$0x3FAF] =	sst s7  }
0x10: {  	[smem:$0x3FB0] =	sst s8  }
0x11: {  	[smem:$0x3FB1] =	sst s9;
	s0 =	simm.s32 @!p0 $0x0  }
0x12: {  	s1 =	sld [smem:$0x3F97];
	s0 =	simm.s32 @p0 $0x1  }
0x13: {  	[smem:$0x3FB2] =	sst s0;
	s0 =	simm.s32 @!p1 $0x0  }
0x14: {  	s2 =	sld [smem:$0x3F96];
	s0 =	simm.s32 @p1 $0x1  }
0x15: {  	[smem:$0x3FB3] =	sst s0;
	s0 =	simm.s32 @!p2 $0x0  }
0x16: {  	s3 =	sld [smem:$0x3FDB];
	s0 =	simm.s32 @p2 $0x1  }
0x17: {  	s4 =	simm.s32 $0x1BF5;
	[smem:$0x3FB5] =	sst s0  }
0x18: {  	s0 =	sld [smem:$0x3F98];
	_ =	swait.ge [sflag:s4], $0x0  }
0x19: {  	s7 =	sld [smem:$0x3F99]  }
0x1a: {  	s8 =	sadd.s32 $0xFFFFE003, lr  }
0x1b: {  	s9 =	sadd.s32 $0xFFFFFEF7, lr;
	s5 =	simm.s32 $0xFFFFFFFF;
	p2 =	slt.u32 s8, $0xFFFFF086  }
0x1c: {  	p1 =	slt.u32 s9, $0xF7A;
	s5 =	simm.s32 @!p2 $0x0  }
0x1d: {  	s5 =	simm.s32 @p1 $0x1;
	p0 =	seq.s32 s7, s2  }
0x1e: {  	s7 =	smul.u32 @!p0 $0xF7A, s2;
	p2 =	seq.s32 @!p0 s5, $0x0  }
0x1f: {  	s9 =	smul.u32 $0xF7A, s1;
	s8 =	simm.s32 @!p0 $0x1BF5;
	p2 =	por !p2, p0  }
0x20: {  	[sflag:s8] =	ssyncset.s32 @!p0 $0xFFFFF086;
	s6 =	sadd.s32 @!p0 s3, s7;
	s7 =	simm.s32 @!p0 $0x108  }
0x21: {  	s3 =	sadd.s32 s3, s9;
	s6 =	sadd.s32 @!p0 $0x88, s6;
	s7 =	simm.s32 @p2 $0x1082  }
0x22: {  	[simem:s7], [sflag:s8] =	dma.local @!p0 [hbm:s6], $0xF7A  }
0x23: {  	s9 =	sor.u32 $0xD0000000, s2;
	s6 =	simm.s32 $0x108;
	_ =	swait.ge @!p0 [sflag:s8], $0x0  }
0x24: {  	s3 =	sadd.s32 $0x88, s3;
	s6 =	simm.s32 @!p1 $0x1082;
	[sflag:s4] =	ssyncset.s32 $0xFFFFF086  }
0x25: {  	[simem:s6], [sflag:s4] =	dma.local [hbm:s3], $0xF7A  }
0x26: {  	[smem:$0x3F99] =	sst s1;
	(tag) =	ssettag s2;
	_ =	strace s9  }
0x27: {  	s1 =	sld [smem:$0x3FA9]  }
0x28: {  	s2 =	sld [smem:$0x3FAA]  }
0x29: {  	s4 =	sld [smem:$0x3FAC]  }
0x2a: {  	p0 =	seq.s32 s5, $0x0;
	s5 =	sld [smem:$0x3FAD]  }
0x2b: {  	s6 =	sld [smem:$0x3FAE]  }
0x2c: {  	s7 =	sld [smem:$0x3FAF]  }
0x2d: {  	s3 =	simm.s32 $0x108;
	s8 =	sld [smem:$0x3FB0]  }
0x2e: {  	s3 =	simm.s32 @!p0 $0x1082;
	s9 =	sld [smem:$0x3FB1]  }
0x2f: {  	lr =	sadd.s32 s0, s3;
	s0 =	sld [smem:$0x3FA8]  }
0x30: {  	s3 =	sld [smem:$0x3FAB]  }
0x31: {  	[smem:$0x3FB4] =	sst s10  }
0x32: {  	s10 =	sld [smem:$0x3FB2];
	_ =	sdelay $0x3  }
0x33: {  	p0 =	seq.s32 s10, $0x1;
	s10 =	sld [smem:$0x3FB4];
	_ =	sdelay $0x3  }
0x34: {  	[smem:$0x3FB4] =	sst s10  }
0x35: {  	s10 =	sld [smem:$0x3FB3];
	_ =	sdelay $0x3  }
0x36: {  	p1 =	seq.s32 s10, $0x1;
	s10 =	sld [smem:$0x3FB4];
	_ =	sdelay $0x3  }
0x37: {  	[smem:$0x3FB4] =	sst s10  }
0x38: {  	s10 =	sld [smem:$0x3FB5]  }
0x39: {  	_ = 	snop;
	(pc) =	sbr.ind lr, $3  }
0x3a: {  	_ = 	snop  }
0x3b: {  	_ = 	snop  }
0x3c: {  	p2 =	seq.s32 s10, $0x1;
	s10 =	sld [smem:$0x3FB4]  }
0x3d: {  	_ =	shalt  }
0x3e: {  	_ =	shalt  }
0x3f: {  	_ =	shalt  }
0x40: {  	_ =	shalt  }
0x41: {  	_ =	shalt  }
0x42: {  	_ =	shalt  }
0x43: {  	_ =	shalt  }
0x44: {  	_ =	shalt  }
0x45: {  	_ =	shalt  }
0x46: {  	_ =	shalt  }
0x47: {  	_ =	shalt  }
0x48: {  	_ =	shalt  }
0x49: {  	_ =	shalt  }
0x4a: {  	_ =	shalt  }
0x4b: {  	_ =	shalt  }
0x4c: {  	_ =	shalt  }
0x4d: {  	_ =	shalt  }
0x4e: {  	_ =	shalt  }
0x4f: {  	_ =	shalt  }
0x50: {  	_ =	shalt  }
0x51: {  	_ =	shalt  }
0x52: {  	_ =	shalt  }
0x53: {  	_ =	shalt  }
0x54: {  	_ =	shalt  }
0x55: {  	_ =	shalt  }
0x56: {  	_ =	shalt  }
0x57: {  	_ =	shalt  }
0x58: {  	_ =	shalt  }
0x59: {  	_ =	shalt  }
0x5a: {  	_ =	shalt  }
0x5b: {  	_ =	shalt  }
0x5c: {  	_ =	shalt  }
0x5d: {  	_ =	shalt  }
0x5e: {  	_ =	shalt  }
0x5f: {  	_ =	shalt  }
0x60: {  	_ =	shalt  }
0x61: {  	_ =	shalt  }
0x62: {  	_ =	shalt  }
0x63: {  	_ =	shalt  }
0x64: {  	_ =	shalt  }
0x65: {  	_ =	shalt  }
0x66: {  	_ =	shalt  }
0x67: {  	_ =	shalt  }
0x68: {  	_ =	shalt  }
0x69: {  	_ =	shalt  }
0x6a: {  	_ =	shalt  }
0x6b: {  	_ =	shalt  }
0x6c: {  	_ =	shalt  }
0x6d: {  	_ =	shalt  }
0x6e: {  	_ =	shalt  }
0x6f: {  	_ =	shalt  }
0x70: {  	_ =	shalt  }
0x71: {  	_ =	shalt  }
0x72: {  	_ =	shalt  }
0x73: {  	_ =	shalt  }
0x74: {  	_ =	shalt  }
0x75: {  	_ =	shalt  }
0x76: {  	_ =	shalt  }
0x77: {  	_ =	shalt  }
0x78: {  	_ =	shalt  }
0x79: {  	_ =	shalt  }
0x7a: {  	_ =	shalt  }
0x7b: {  	_ =	shalt  }
0x7c: {  	_ =	shalt  }
0x7d: {  	_ =	shalt  }
0x7e: {  	_ =	shalt  }
0x7f: {  	_ =	shalt  }
0x80: {  	_ =	shalt  }
0x81: {  	_ =	shalt  }
0x82: {  	_ =	shalt  }
0x83: {  	_ =	shalt  }
0x84: {  	_ =	shalt  }
0x85: {  	_ =	shalt  }
0x86: {  	_ =	shalt  }
0x87: {  	_ =	shalt  }
.Lfunc_end0:
.L_simem_size_0:
called_computation_lowered:
.L_overlay_start_0:
0x88: {  	s2 =	sld [smem:$0x3FD9]  }
0x89: {  	s3 =	sld [smem:$0x3FFE];
	_ =	sdelay $0x1  }
0x8a: {  	s1 =	srdreg.scid  }
0x8b: {  	s0 =	sand.u32 $0x1, s1  }
0x8c: {  	s14 =	sshll.u32 s0, $0xA;
	s2 =	sadd.s32 s3, s2  }
0x8d: {  	s2 =	sadd.s32 s2, s14  }
0x8e: {  	[smem:$0x3FC0] =	sst s2  }
0x8f: {  	_ = 	snop  }
0x90: {  	s2 =	sld [smem:$0x3FD0];
	_ =	sdelay $0x2  }
0x91: {  	s15 =	simm.s32 $0xA;
	s4 =	simm.s32 $0x10  }
0x92: {  	[smem:s4], [sflag:s15] =	dma.local [hbm:s2], $0x1  }
0x93: {  	_ =	swait.eq [sflag:s15], $0x1  }
0x94: {  	[sflag:s15] =	ssyncset.done $0x0  }
0x95: {  	s16 =	sld [smem:$0x10];
	[sflag:s15] =	ssyncadd.s32 $0xFFFFFFFF  }
0x96: {  	s17 =	sld [smem:$0x11];
	(tm) =	ssettm $0x1  }
0x97: {  	s18 =	sld [smem:$0x3FFB];
	_ =	sdelay $0x3  }
0x98: {  	_ =	strace s18  }
0x99: {  	s4 =	sld [smem:$0x3FFC];
	_ =	sdelay $0x3  }
0x9a: {  	_ =	strace s4  }
0x9b: {  	s4 =	sld [smem:$0x3FFD];
	_ =	sdelay $0x3  }
0x9c: {  	_ =	strace s4  }
0x9d: {  	_ =	strace $0x8FFFFFFF  }
0x9e: {  	s19 =	sld [smem:$0x3FDB];
	_ =	sdelay $0x1  }
0x9f: {  	s5 =	simm.s32 $_scs_section_size  }
0xa0: {  	s6 =	simm.s32 $_size__tile_overlayer_lowered;
	s7 =	simm.s32 $_tile_overlayer_lowered  }
0xa1: {  	s22 =	simm.s32 $0x1BFF;
	s21 =	sshll.u32 s7, $0x1;
	s4 =	sadd.s32 s5, s19  }
0xa2: {  	s8 =	simm.s32 $0x0;
	s20 =	sshll.u32 s6, $0x1;
	s6 =	sadd.s32 s21, s4  }
0xa3: {  	[timem:s8], [sflag:s22] =	dma.local [hbm:s6], s20  }
0xa4: {  	_ =	swait.ge [sflag:s22], s20  }
0xa5: {  	s5 =	ssub.s32 $0x0, s20;
	[sflag:s22] =	ssyncset.done $0x0  }
0xa6: {  	[sflag:s22] =	ssyncadd.s32 s5;
	_ =	sdelay $0x1  }
0xa7: {  	s23 =	simm.s32 $0x1B8B  }
0xa8: {  	_ =	swait.ge [sflag:s23], $0x1  }
0xa9: {  	[sflag:s23] =	ssyncset.done $0x0  }
0xaa: {  	s25 =	simm.s32 $0x1B8E;
	s24 =	sld [smem:$0x3FFE];
	[sflag:s23] =	ssyncadd.s32 $0xFFFFFFFF  }
0xab: {  	s26 =	simm.s32 $execute0_lowered;
	[smem:$0x3FD2] =	sst s25  }
0xac: {  	s6 =	sshll.u32 s26, $0x1;
	_ =	strace $0x80000046;
	[dreg:$0x1] =	wrdreg $0xFFFFFFFF  }
0xad: {  	s28 =	simm.s32 $_size_execute0_lowered;
	s4 =	sadd.s32 s4, s6;
	[dreg:$0x0] =	wrdreg $0x0  }
0xae: {  	s6 =	sshll.u32 s28, $0x1;
	[dreg:$0x2] =	wrdreg s4  }
0xaf: {  	[dreg:$0x3] =	wrdreg s6  }
0xb0: {  	[dreg:$0x4] =	wrdreg $0xC0  }
0xb1: {  	_ =	task [dreg:s8], $0x5FFFF  }
0xb2: {  	[dreg:$0x1] =	wrdreg $0xFFFFFFFF  }
0xb3: {  	[dreg:$0x0] =	wrdreg $0x60  }
0xb4: {  	[dreg:$0x2] =	wrdreg s24  }
0xb5: {  	[dreg:$0x3] =	wrdreg s17  }
0xb6: {  	[dreg:$0x4] =	wrdreg s16  }
0xb7: {  	[dreg:$0x5] =	wrdreg $0x30000  }
0xb8: {  	[dreg:$0x6] =	wrdreg $0x9  }
0xb9: {  	_ =	task.clear_ibuf [dreg:s8], $0x7FFFF;
	_ =	strace $0x90000046  }
0xba: {  	s29 =	simm.s32 $0x9;
	_ =	strace $0x80000048  }
0xbb: {  	_ =	swait.ge [sflag:s29], $0x1  }
0xbc: {  	[sflag:s29] =	ssyncadd.s32 $0xFFFFFFFF  }
0xbd: {  	_ =	strace $0x90000048  }
0xbe: {  	_ =	sfence  }
0xbf: {  	s30 =	sld [smem:$0x0];
	_ =	sdelay $0x2  }
0xc0: {  	s31 =	sshll.u32 s1, $0xD;
	s1 =	sshrl.u32 s1, $0x2  }
0xc1: {  	s3 =	sand.u32 $0x4000, s31;
	s1 =	sadd.s32 s1, s30  }
0xc2: {  	s0 =	sor.u32 s3, s0;
	s1 =	sshll.u32 s1, $0x11  }
0xc3: {  	s0 =	sor.u32 s1, s0  }
0xc4: {  	s0 =	sadd.s32 $0x8F2B, s0  }
0xc5: {  	[sflag:s0] =	ssyncadd.remote.s32 $0x1  }
0xc6: {  	_ =	sfence.sel $0xFFFF  }
0xc7: {  	[dreg:$0x0] =	wrdreg $0xFFFFFFFF;
	(pc) =	sbr.abs _section_cstart, $3  }
0xc8: {  	[dreg:$0x1] =	wrdreg $0xFFFFFFFF  }
0xc9: {  	_ =	task.clear_ibuf [dreg:s8], $0x2FFFF;
	_ =	strace $0x9FFFFFFF  }
0xca: {  	(tm) =	ssettm $0x7FFFFFFF  }
0xcb: {  	_ =	shalt  }
tec
execute0_lowered:
.L_overlay_start_1:
0x0: {  	(tag) =	ssettag $0x1  }
0x1: {  	s6 =	rddreg [dreg:$0x0]  }
0x2: {  	s7 =	rddreg [dreg:$0x1]  }
0x3: {  	s2 =	rddreg [dreg:$0x2]  }
0x4: {  	s0 =	srdreg.scid;
	s3 =	rddreg [dreg:$0x3]  }
0x5: {  	s4 =	simm.s32 $0x0;
	s5 =	sand.u32 $0x1, s0;
	s0 =	stileid.u32  }
0x6: {  	s16 =	simm.s32 $0x0;
	[smem:$0x7FF] =	sst s4;
	s9 =	smul.u32 $0x1400, s0  }
0x7: {  	s1 =	sshll.u32 s5, $0x4;
	s11 =	smul.u32 $0x14000, s5;
	s29 =	ssub.s32 $0x2, s5  }
0x8: {  	s5 =	simm.s32 $0x28;
	s31 =	sshll.u32 s0, $0x6;
	s12 =	sor.u32 s0, s1  }
0x9: {  	s1 =	rddreg [dreg:$0x4];
	_ =	strace $0x80000047;
	s13 =	sshrl.u32 s29, $0x1  }
0xa: {  	s8 =	smul.u32 $0x27, s12;
	s10 =	smin.u32 s12, $0x2;
	s25 =	sadd.s32 s9, s11  }
0xb: {  	p0 =	slt.u32 s12, $0x2;
	s13 =	ssub.s32 s29, s13;
	s15 =	sadd.s32 s9, s3  }
0xc: {  	s30 =	sshrl.u32 s9, $0x3;
	s28 =	sshrl.u32 s25, $0x3;
	s5 =	simm.s32 @!p0 $0x27  }
0xd: {  	s11 =	smax.u32 s13, $0x1;
	p0 =	sgt.u32 s12, $0x1;
	s12 =	sshrl.u32 s15, $0x3  }
0xe: {  	s13 =	simm.s32 $0x1;
	s8 =	sadd.s32 s10, s8;
	s14 =	sadd.s32 s28, s6  }
0xf: {  	s15 =	simm.s32 $0x100;
	s8 =	sshll.u32 s8, $0x5;
	s10 =	sadd.s32 $0x15800, s14  }
0x10: {  	s14 =	simm.s32 $0x2800;
	s26 =	sadd.s32 s8, s6;
	s6 =	sadd.s32 s7, s30  }
0x11: {  	s7 =	sor.u32 $0x1C01, s31;
	s8 =	sadd.s32 $0x1C00, s26;
	s9 =	sadd.s32 $0x20E0, s26  }
.LBB2_1:
0x12: {  	[spmem:s12], [sflag:s7] =	dma.local [hbm:s6], $0x280  }
0x13: {  	_ =	swait.ge [sflag:s13], $0x280  }
0x14: {  	[sflag:s13] =	ssyncset.done $0x0  }
0x15: {  	[sflag:s13] =	ssyncadd.s32 $0xFFFFFD80  }
0x16: {  	[tilespmem:s4], [sflag:$0x1] =	stream.linear.gather [hbm4b:s8+s4], $0x2700, $0x38;
	[tilespmem:$0x4400] =	vst v63  }
0x17: {  	_ =	swait.ge [sflag:s13], $0x2700  }
0x18: {  	[sflag:s13] =	ssyncset.done $0x0  }
0x19: {  	s17 =	simm.s32 @!p0 $0x0;
	s18 =	simm.s32 @!p0 $0x2700;
	[sflag:s13] =	ssyncadd.s32 $0xFFFFD900  }
0x1a: {  	[tilespmem:s18], [sflag:$0x1] =	stream.linear.gather @!p0 [hbm4b:s9+s17], $0x100, $0x38;
	[tilespmem:$0x4400] =	vst v63  }
0x1b: {  	s17 =	simm.s32 @!p0 $0x1  }
0x1c: {  	_ =	swait.ge @!p0 [sflag:s17], $0x100  }
0x1d: {  	[sflag:s17] =	ssyncset.done @!p0 $0x0  }
0x1e: {  	[sflag:s17] =	ssyncadd.s32 @!p0 $0xFFFFFF00  }
0x1f: {  	[tilespmem:s14], [sflag:$0x1] =	stream.linear.gather [hbm4b:s2+s4], $0x800, $0x38;
	[tilespmem:$0x4400] =	vst v63  }
0x20: {  	_ =	swait.ge [sflag:s13], $0x800  }
0x21: {  	p1 =	sne.s32 s5, $0x1;
	[sflag:s13] =	ssyncset.done $0x0  }
.Ltmp0:
0x22: {  	[sflag:s13] =	ssyncadd.s32 $0xFFFFF800;
	(pc) =	sbr.rel @!p1 .LBB2_3-.Ltmp0, $4  }
0x23: {  	[bflag:$0x0] =	sbarrier.arrive $0xFFFF  }
0x24: {  	[spmem:s3] =	stream.indirect.scatter.add.f32 [tilespmem:s14], [sflag:$0x1], $0x8, s4, s15, $0xb8;
	[tilespmem:$0x4400] =	vst v63  }
0x25: {  	_ =	swait.ge [sflag:s13], $0x800  }
0x26: {  	s18 =	simm.s32 $0x0;
	s17 =	sadd.s32 $0xFFFFFFFF, s5;
	[sflag:s13] =	ssyncset.done $0x0  }
.LBB2_2:
0x27: {  	p1 =	sne.s32 s17, $0x1;
	[sflag:s13] =	ssyncadd.s32 $0xFFFFF800;
	s18 =	sadd.s32 $0x100, s18  }
.Ltmp1:
0x28: {  	s17 =	sadd.s32 $0xFFFFFFFF, s17;
	(pc) =	sbr.rel @p1 .LBB2_2-.Ltmp1, $4  }
0x29: {  	_ = 	snop  }
0x2a: {  	[spmem:s3] =	stream.indirect.scatter.add.f32 [tilespmem:s14], [sflag:$0x1], $0x8, s18, s15, $0xb8;
	[tilespmem:$0x4400] =	vst v63  }
0x2b: {  	_ =	swait.ge [sflag:s13], $0x800  }
0x2c: {  	[sflag:s13] =	ssyncset.done $0x0  }
.LBB2_3:
0x2d: {  	s16 =	sadd.s32 $0x1, s16  }
0x2e: {  	[sflag:s13] =	ssyncadd.s32 $0xFFFFF800;
	p1 =	sne.s32 s16, s11  }
.Ltmp2:
0x2f: {  	[bflag:$0x0] =	sbarrier.arrive $0xFFFF;
	(pc) =	sbr.rel @p1 .LBB2_1-.Ltmp2, $4  }
0x30: {  	[hbm:s10], [sflag:s7] =	dma.local [spmem:s12], $0x280  }
0x31: {  	_ =	swait.ge [sflag:s13], $0x280  }
0x32: {  	[sflag:s13] =	ssyncset.done $0x0  }
0x33: {  	[sflag:s13] =	ssyncadd.s32 $0xFFFFFD80  }
0x34: {  	_ =	sfence.sel $0x180000  }
0x35: {  	[bflag:$0x0] =	sbarrier.arrive $0xFFFF  }
0x36: {  	p0 =	sne.s32 s0, $0x0;
	_ =	strace $0x90000047  }
0x37: {  	s0 =	sadd.s32 @!p0 $0x100000, s1;
	[bflag:$0x2] =	sbarrier.arrive $0xFFFF  }
0x38: {  	[sflag:s0] =	ssyncadd.tile.s32 @!p0 $0x1;
	_ =	shalt  }
.Lfunc_end2:
_tile_overlayer_lowered:
.L_overlay_start_2:
0x39: {  	(tag) =	ssettag $0x2  }
0x3a: {  	s0 =	rddreg [dreg:$0x0];
	s2 =	stileid.u32  }
0x3b: {  	s1 =	rddreg [dreg:$0x1];
	p0 =	sne.s32 s2, $0x0  }
0x3c: {  	s3 =	rddreg [dreg:$0x2];
	[bflag:$0x3] =	sbarrier.arrive $0xFFFF;
	s2 =	simm.s32 @!p0 $0x1C01  }
0x3d: {  	[timem:s3], [sflag:s2] =	dma.local @!p0 [hbm:s0], s1  }
0x3e: {  	s0 =	simm.s32 @!p0 $0x1  }
0x3f: {  	_ =	swait.ge @!p0 [sflag:s0], s1  }
0x40: {  	s1 =	ssub.s32 @!p0 $0x0, s1;
	[sflag:s0] =	ssyncset.done @!p0 $0x0  }
0x41: {  	[sflag:s0] =	ssyncadd.s32 @!p0 s1  }
0x42: {  	[bflag:$0x3] =	sbarrier.arrive $0xFFFF  }
0x43: {  	_ =	shalt  }

</sc_bundles>
